<compile_context>
chip_gen: v7x
topology: tpu7x:2x2x1
jax: 0.10.2.dev20260603
libtpu: 0.0.44.dev20260713+nightly
codegen_flags: <defaults>
</compile_context>

<pallas_src>
import jax
import jax.numpy as jnp
from jax import lax
from jax.experimental import pallas as pl
from jax.experimental.pallas import tpu as pltpu
from jax.experimental.pallas import tpu_sc as plsc

BATCH = 1024
SEQ = 200
DIM = 64
NC = 2
NS = 16
NW = NC * NS
SEQ_PER_W = BATCH // NW
LANES = 16
VOCAB_ROWS = 1000000


def _gat_body(idx_hbm, tab_hbm, pos_hbm, out_hbm,
              pos_v, idx_all, rows0, rows1, out0, out1,
              gsem0, gsem1, osem0, osem1):
    cid = lax.axis_index("c")
    sid = lax.axis_index("s")
    wid = sid * NC + cid
    base = wid * SEQ_PER_W

    pltpu.sync_copy(idx_hbm.at[wid], idx_all)
    pltpu.sync_copy(pos_hbm, pos_v)

    def issue_gathers(t, rows, sem):
        off = pl.multiple_of(t * SEQ, 8)
        pltpu.async_copy(tab_hbm.at[idx_all.at[pl.ds(off, 96)]],
                         rows.at[pl.ds(0, 96)], sem)
        pltpu.async_copy(tab_hbm.at[idx_all.at[pl.ds(off + 96, 104)]],
                         rows.at[pl.ds(96, 104)], sem)

    def wait_gathers(rows, sem):
        pltpu.make_async_copy(tab_hbm.at[idx_all.at[pl.ds(0, 96)]],
                              rows.at[pl.ds(0, 96)], sem).wait()
        pltpu.make_async_copy(tab_hbm.at[idx_all.at[pl.ds(96, 104)]],
                              rows.at[pl.ds(96, 104)], sem).wait()

    def wait_outdma(outv, sem):
        pltpu.make_async_copy(outv, out_hbm.at[base], sem).wait()

    def sel_add_out(t, p, rows, outv, sem):
        @pl.when(p >= 1)
        def _():
            wait_outdma(outv, sem)

        @plsc.parallel_loop(0, SEQ, 1, unroll=2)
        def _sel(r):
            half = (r % 2) * DIM
            for m in range(4):
                outv[r // 2, pl.ds(half + 16 * m, LANES)] = (
                    rows[r, pl.ds(16 * m, LANES)]
                    + pos_v[r, pl.ds(16 * m, LANES)])

        pltpu.async_copy(outv, out_hbm.at[base + t], sem)

    issue_gathers(0, rows0, gsem0)

    def pair_body(p, carry):
        t0 = 2 * p
        wait_gathers(rows0, gsem0)
        issue_gathers(t0 + 1, rows1, gsem1)
        sel_add_out(t0, p, rows0, out0, osem0)
        wait_gathers(rows1, gsem1)

        @pl.when(p < SEQ_PER_W // 2 - 1)
        def _():
            issue_gathers(t0 + 2, rows0, gsem0)

        sel_add_out(t0 + 1, p, rows1, out1, osem1)
        return carry

    lax.fori_loop(0, SEQ_PER_W // 2, pair_body, 0)
    wait_outdma(out0, osem0)
    wait_outdma(out1, osem1)


@jax.jit
def kernel(inputs, word_table, pos_table):
    mesh = plsc.VectorSubcoreMesh(core_axis_name="c", subcore_axis_name="s")
    cp = pltpu.CompilerParams(use_tc_tiling_on_sc=True,
                              needs_layout_passes=False)

    tab_pad = jnp.pad(word_table, ((0, 0), (0, 64)))
    idx = inputs.astype(jnp.int32).reshape(NW, SEQ_PER_W * SEQ)
    out = pl.kernel(
        _gat_body,
        mesh=mesh,
        out_type=jax.ShapeDtypeStruct((BATCH, SEQ // 2, 128), jnp.float32),
        scratch_types=[
            pltpu.VMEM((SEQ, DIM), jnp.float32),
            pltpu.VMEM((SEQ_PER_W * SEQ,), jnp.int32),
            pltpu.VMEM((SEQ, 128), jnp.float32),
            pltpu.VMEM((SEQ, 128), jnp.float32),
            pltpu.VMEM((SEQ // 2, 128), jnp.float32),
            pltpu.VMEM((SEQ // 2, 128), jnp.float32),
            pltpu.SemaphoreType.DMA,
            pltpu.SemaphoreType.DMA,
            pltpu.SemaphoreType.DMA,
            pltpu.SemaphoreType.DMA,
        ],
        compiler_params=cp,
    )(idx, tab_pad, pos_table)
    return out.reshape(BATCH, SEQ, DIM)

# --- scband reference (transcript-rebuilt; emitter-appended) ---
"""Pipeline reference for scband-position-embedding-26276609917215 (READ-ONLY COPY).

The authoritative reference and input builder live on the scoring server;
editing this copy changes nothing except your own understanding.
"""

import jax, jax.numpy as jnp
import numpy as np

VOCAB = 1000000
SEQ_LEN = 200
DIM = 64
BATCH = 1024

def setup_inputs(seed: int = 0) -> dict:
    key = jax.random.key(seed)
    k1, k2, k3 = jax.random.split(key, 3)
    inputs = jax.random.randint(k1, (BATCH, SEQ_LEN), 0, VOCAB, dtype=jnp.int64 if jax.config.jax_enable_x64 else jnp.int32)
    word_table = jax.random.normal(k2, (VOCAB, DIM), dtype=jnp.float32) * 0.02
    pos_table = jax.random.normal(k3, (SEQ_LEN, DIM), dtype=jnp.float32) * 0.02
    return {"inputs": inputs, "word_table": word_table, "pos_table": pos_table}

def reference(inputs, word_table, pos_table):
    # position_indices = tf.range(tf.shape(inputs)[-1])
    position_indices = jnp.arange(inputs.shape[-1])
    # embedded_words = word_embedding_layer(inputs)
    embedded_words = jnp.take(word_table, inputs, axis=0)
    # embedded_indices = position_embedding_layer(position_indices)
    embedded_indices = jnp.take(pos_table, position_indices, axis=0)
    return embedded_words + embedded_indices

if __name__ == "__main__":
    import jax
    _d = setup_inputs()
    print(jax.jit(kernel)(*tuple(_d.values())))

</pallas_src>

<mosaic_0001>
#map = affine_map<(d0, d1) -> (0, 0)>
#map1 = affine_map<(d0, d1) -> (0, 0, 0)>
module attributes {stable_mosaic.version = 14 : i64} {
  func.func @_gat_body(%arg0: i32, %arg1: i32, %arg2: memref<32x6400xi32, #tpu.memory_space<hbm>>, %arg3: memref<1000000x128xf32, #tpu.memory_space<hbm>>, %arg4: memref<200x64xf32, #tpu.memory_space<hbm>>, %arg5: memref<1024x100x128xf32, #tpu.memory_space<hbm>>, %arg6: memref<200x64xf32, #tpu.memory_space<vmem>>, %arg7: memref<6400xi32, #tpu.memory_space<vmem>>, %arg8: memref<200x128xf32, #tpu.memory_space<vmem>>, %arg9: memref<200x128xf32, #tpu.memory_space<vmem>>, %arg10: memref<100x128xf32, #tpu.memory_space<vmem>>, %arg11: memref<100x128xf32, #tpu.memory_space<vmem>>, %arg12: memref<!tpu.dma_semaphore, #tpu.memory_space<semaphore_mem>>, %arg13: memref<!tpu.dma_semaphore, #tpu.memory_space<semaphore_mem>>, %arg14: memref<!tpu.dma_semaphore, #tpu.memory_space<semaphore_mem>>, %arg15: memref<!tpu.dma_semaphore, #tpu.memory_space<semaphore_mem>>) attributes {dimension_semantics = [#tpu.dimension_semantics<core_parallel>, #tpu.dimension_semantics<subcore_parallel>], iteration_bounds = array<i64: 2, 16>, scalar_prefetch = 0 : i64, scratch_operands = 10 : i64, tpu.core_type = #tpu.core_type<sc_vector_subcore>, window_params = [{transform_indices = #map}, {transform_indices = #map}, {transform_indices = #map}, {transform_indices = #map1}]} {
    %mul3A = arith.constant 2 : i32
    %mul3A_0 = arith.muli %arg1, %mul3A : i32
    %add3A = arith.addi %mul3A_0, %arg0 : i32
    %mul3A_1 = arith.constant 32 : i32
    %mul3A_2 = arith.muli %add3A, %mul3A_1 : i32
    "tpu.region"() ({
      %run_scoped3A = tpu.sem_alloc : memref<!tpu.dma_semaphore, #tpu.memory_space<semaphore_mem>>
      %dma_start3A_39 = arith.constant 0 : i32
      %dma_start3A_40 = tpu.memref_slice %arg2[%add3A, %dma_start3A_39] : memref<32x6400xi32, #tpu.memory_space<hbm>> -> memref<1x6400xi32, #tpu.memory_space<hbm>>
      %dma_start3A_41 = tpu.memref_squeeze %dma_start3A_40 : memref<1x6400xi32, #tpu.memory_space<hbm>> -> memref<6400xi32, #tpu.memory_space<hbm>>
      %dma_start3A_42 = arith.constant 0 : i32
      %dma_start3A_43 = tpu.memref_slice %arg2[%add3A, %dma_start3A_42] : memref<32x6400xi32, #tpu.memory_space<hbm>> -> memref<1x6400xi32, #tpu.memory_space<hbm>>
      %dma_start3A_44 = tpu.memref_squeeze %dma_start3A_43 : memref<1x6400xi32, #tpu.memory_space<hbm>> -> memref<6400xi32, #tpu.memory_space<hbm>>
      tpu.enqueue_dma source(%dma_start3A_44 : memref<6400xi32, #tpu.memory_space<hbm>>) target(%arg7 : memref<6400xi32, #tpu.memory_space<vmem>>) target_semaphore(%run_scoped3A : memref<!tpu.dma_semaphore, #tpu.memory_space<semaphore_mem>>)
      %dma_wait3A_45 = arith.constant 0 : i32
      %dma_wait3A_46 = tpu.memref_slice %arg2[%add3A, %dma_wait3A_45] : memref<32x6400xi32, #tpu.memory_space<hbm>> -> memref<1x6400xi32, #tpu.memory_space<hbm>>
      %dma_wait3A_47 = tpu.memref_squeeze %dma_wait3A_46 : memref<1x6400xi32, #tpu.memory_space<hbm>> -> memref<6400xi32, #tpu.memory_space<hbm>>
      %dma_wait3A_48 = arith.constant 0 : i32
      %dma_wait3A_49 = tpu.memref_slice %arg2[%add3A, %dma_wait3A_48] : memref<32x6400xi32, #tpu.memory_space<hbm>> -> memref<1x6400xi32, #tpu.memory_space<hbm>>
      %dma_wait3A_50 = tpu.memref_squeeze %dma_wait3A_49 : memref<1x6400xi32, #tpu.memory_space<hbm>> -> memref<6400xi32, #tpu.memory_space<hbm>>
      tpu.wait_dma2 semaphore(%run_scoped3A : memref<!tpu.dma_semaphore, #tpu.memory_space<semaphore_mem>>) src(%dma_wait3A_50 : memref<6400xi32, #tpu.memory_space<hbm>>) dst(%arg7 : memref<6400xi32, #tpu.memory_space<vmem>>)
      tpu.yield
    }) : () -> ()
    "tpu.region"() ({
      %run_scoped3A = tpu.sem_alloc : memref<!tpu.dma_semaphore, #tpu.memory_space<semaphore_mem>>
      tpu.enqueue_dma source(%arg4 : memref<200x64xf32, #tpu.memory_space<hbm>>) target(%arg6 : memref<200x64xf32, #tpu.memory_space<vmem>>) target_semaphore(%run_scoped3A : memref<!tpu.dma_semaphore, #tpu.memory_space<semaphore_mem>>)
      tpu.wait_dma2 semaphore(%run_scoped3A : memref<!tpu.dma_semaphore, #tpu.memory_space<semaphore_mem>>) src(%arg4 : memref<200x64xf32, #tpu.memory_space<hbm>>) dst(%arg6 : memref<200x64xf32, #tpu.memory_space<vmem>>)
      tpu.yield
    }) : () -> ()
    %multiple_of3A = arith.constant 0 : i32
    %multiple_of3A_3 = tpu.assume_multiple %multiple_of3A, 8 : i32
    %dma_start3A = arith.constant 0 : i32
    %dma_start3A_4 = arith.constant 0 : i32
    %dma_start3A_5 = tpu.memref_slice %arg8[%dma_start3A, %dma_start3A_4] : memref<200x128xf32, #tpu.memory_space<vmem>> -> memref<96x128xf32, #tpu.memory_space<vmem>>
    %dma_start3A_6 = tpu.memref_slice %arg7[%multiple_of3A_3] : memref<6400xi32, #tpu.memory_space<vmem>> -> memref<96xi32, #tpu.memory_space<vmem>>
    %dma_start3A_7 = arith.constant 0 : i32
    %dma_start3A_8 = arith.constant 0 : i32
    %dma_start3A_9 = tpu.memref_slice %arg3[%dma_start3A_7, %dma_start3A_8] : memref<1000000x128xf32, #tpu.memory_space<hbm>> -> memref<1000000x128xf32, #tpu.memory_space<hbm>>
    tpu.enqueue_indirect_dma source(%dma_start3A_9 : memref<1000000x128xf32, #tpu.memory_space<hbm>>) target(%dma_start3A_5 : memref<96x128xf32, #tpu.memory_space<vmem>>) offsets(%dma_start3A_6 : memref<96xi32, #tpu.memory_space<vmem>>) semaphore(%arg12 : memref<!tpu.dma_semaphore, #tpu.memory_space<semaphore_mem>>)
    %add3A_10 = arith.constant 96 : i32
    %add3A_11 = arith.addi %multiple_of3A_3, %add3A_10 : i32
    %dma_start3A_12 = arith.constant 96 : i32
    %dma_start3A_13 = arith.constant 0 : i32
    %dma_start3A_14 = tpu.memref_slice %arg8[%dma_start3A_12, %dma_start3A_13] : memref<200x128xf32, #tpu.memory_space<vmem>> -> memref<104x128xf32, #tpu.memory_space<vmem>>
    %dma_start3A_15 = tpu.memref_slice %arg7[%add3A_11] : memref<6400xi32, #tpu.memory_space<vmem>> -> memref<104xi32, #tpu.memory_space<vmem>>
    %dma_start3A_16 = arith.constant 0 : i32
    %dma_start3A_17 = arith.constant 0 : i32
    %dma_start3A_18 = tpu.memref_slice %arg3[%dma_start3A_16, %dma_start3A_17] : memref<1000000x128xf32, #tpu.memory_space<hbm>> -> memref<1000000x128xf32, #tpu.memory_space<hbm>>
    tpu.enqueue_indirect_dma source(%dma_start3A_18 : memref<1000000x128xf32, #tpu.memory_space<hbm>>) target(%dma_start3A_14 : memref<104x128xf32, #tpu.memory_space<vmem>>) offsets(%dma_start3A_15 : memref<104xi32, #tpu.memory_space<vmem>>) semaphore(%arg12 : memref<!tpu.dma_semaphore, #tpu.memory_space<semaphore_mem>>)
    %scan3A = arith.constant 0 : i32
    %scan3A_19 = arith.constant 0 : i32
    %scan3A_20 = arith.constant 16 : i32
    %scan3A_21 = arith.addi %scan3A_19, %scan3A_20 : i32
    %scan3A_22 = arith.constant 1 : i32
    scf.for %scan3A_39 = %scan3A_19 to %scan3A_21 step %scan3A_22  : i32 {
      %mul3A_40 = arith.constant 2 : i32
      %mul3A_41 = arith.muli %mul3A_40, %scan3A_39 : i32
      %dma_wait3A_42 = arith.constant 0 : i32
      %dma_wait3A_43 = arith.constant 0 : i32
      %dma_wait3A_44 = tpu.memref_slice %arg8[%dma_wait3A_42, %dma_wait3A_43] : memref<200x128xf32, #tpu.memory_space<vmem>> -> memref<96x128xf32, #tpu.memory_space<vmem>>
      %dma_wait3A_45 = arith.constant 0 : i32
      %dma_wait3A_46 = tpu.memref_slice %arg7[%dma_wait3A_45] : memref<6400xi32, #tpu.memory_space<vmem>> -> memref<96xi32, #tpu.memory_space<vmem>>
      %dma_wait3A_47 = arith.constant 0 : i32
      %dma_wait3A_48 = arith.constant 0 : i32
      %dma_wait3A_49 = tpu.memref_slice %arg3[%dma_wait3A_47, %dma_wait3A_48] : memref<1000000x128xf32, #tpu.memory_space<hbm>> -> memref<1000000x128xf32, #tpu.memory_space<hbm>>
      tpu.wait_indirect_dma semaphore(%arg12 : memref<!tpu.dma_semaphore, #tpu.memory_space<semaphore_mem>>) src(%dma_wait3A_49 : memref<1000000x128xf32, #tpu.memory_space<hbm>>) dst(%dma_wait3A_44 : memref<96x128xf32, #tpu.memory_space<vmem>>)
      %dma_wait3A_50 = arith.constant 96 : i32
      %dma_wait3A_51 = arith.constant 0 : i32
      %dma_wait3A_52 = tpu.memref_slice %arg8[%dma_wait3A_50, %dma_wait3A_51] : memref<200x128xf32, #tpu.memory_space<vmem>> -> memref<104x128xf32, #tpu.memory_space<vmem>>
      %dma_wait3A_53 = arith.constant 96 : i32
      %dma_wait3A_54 = tpu.memref_slice %arg7[%dma_wait3A_53] : memref<6400xi32, #tpu.memory_space<vmem>> -> memref<104xi32, #tpu.memory_space<vmem>>
      %dma_wait3A_55 = arith.constant 0 : i32
      %dma_wait3A_56 = arith.constant 0 : i32
      %dma_wait3A_57 = tpu.memref_slice %arg3[%dma_wait3A_55, %dma_wait3A_56] : memref<1000000x128xf32, #tpu.memory_space<hbm>> -> memref<1000000x128xf32, #tpu.memory_space<hbm>>
      tpu.wait_indirect_dma semaphore(%arg12 : memref<!tpu.dma_semaphore, #tpu.memory_space<semaphore_mem>>) src(%dma_wait3A_57 : memref<1000000x128xf32, #tpu.memory_space<hbm>>) dst(%dma_wait3A_52 : memref<104x128xf32, #tpu.memory_space<vmem>>)
      %add3A_58 = arith.constant 1 : i32
      %add3A_59 = arith.addi %mul3A_41, %add3A_58 : i32
      %mul3A_60 = arith.constant 200 : i32
      %mul3A_61 = arith.muli %add3A_59, %mul3A_60 : i32
      %multiple_of3A_62 = tpu.assume_multiple %mul3A_61, 8 : i32
      %dma_start3A_63 = arith.constant 0 : i32
      %dma_start3A_64 = arith.constant 0 : i32
      %dma_start3A_65 = tpu.memref_slice %arg9[%dma_start3A_63, %dma_start3A_64] : memref<200x128xf32, #tpu.memory_space<vmem>> -> memref<96x128xf32, #tpu.memory_space<vmem>>
      %dma_start3A_66 = tpu.memref_slice %arg7[%multiple_of3A_62] : memref<6400xi32, #tpu.memory_space<vmem>> -> memref<96xi32, #tpu.memory_space<vmem>>
      %dma_start3A_67 = arith.constant 0 : i32
      %dma_start3A_68 = arith.constant 0 : i32
      %dma_start3A_69 = tpu.memref_slice %arg3[%dma_start3A_67, %dma_start3A_68] : memref<1000000x128xf32, #tpu.memory_space<hbm>> -> memref<1000000x128xf32, #tpu.memory_space<hbm>>
      tpu.enqueue_indirect_dma source(%dma_start3A_69 : memref<1000000x128xf32, #tpu.memory_space<hbm>>) target(%dma_start3A_65 : memref<96x128xf32, #tpu.memory_space<vmem>>) offsets(%dma_start3A_66 : memref<96xi32, #tpu.memory_space<vmem>>) semaphore(%arg13 : memref<!tpu.dma_semaphore, #tpu.memory_space<semaphore_mem>>)
      %add3A_70 = arith.constant 96 : i32
      %add3A_71 = arith.addi %multiple_of3A_62, %add3A_70 : i32
      %dma_start3A_72 = arith.constant 96 : i32
      %dma_start3A_73 = arith.constant 0 : i32
      %dma_start3A_74 = tpu.memref_slice %arg9[%dma_start3A_72, %dma_start3A_73] : memref<200x128xf32, #tpu.memory_space<vmem>> -> memref<104x128xf32, #tpu.memory_space<vmem>>
      %dma_start3A_75 = tpu.memref_slice %arg7[%add3A_71] : memref<6400xi32, #tpu.memory_space<vmem>> -> memref<104xi32, #tpu.memory_space<vmem>>
      %dma_start3A_76 = arith.constant 0 : i32
      %dma_start3A_77 = arith.constant 0 : i32
      %dma_start3A_78 = tpu.memref_slice %arg3[%dma_start3A_76, %dma_start3A_77] : memref<1000000x128xf32, #tpu.memory_space<hbm>> -> memref<1000000x128xf32, #tpu.memory_space<hbm>>
      tpu.enqueue_indirect_dma source(%dma_start3A_78 : memref<1000000x128xf32, #tpu.memory_space<hbm>>) target(%dma_start3A_74 : memref<104x128xf32, #tpu.memory_space<vmem>>) offsets(%dma_start3A_75 : memref<104xi32, #tpu.memory_space<vmem>>) semaphore(%arg13 : memref<!tpu.dma_semaphore, #tpu.memory_space<semaphore_mem>>)
      %ge3A = arith.constant 1 : i32
      %ge3A_79 = arith.cmpi sge, %scan3A_39, %ge3A : i32
      %convert_element_type3A = arith.extui %ge3A_79 : i1 to i32
      %cond3A = arith.constant 0 : i32
      %cond3A_80 = arith.cmpi ne, %convert_element_type3A, %cond3A : i32
      scf.if %cond3A_80 {
        %dma_wait3A_131 = arith.constant 0 : i32
        %dma_wait3A_132 = arith.constant 0 : i32
        %dma_wait3A_133 = tpu.memref_slice %arg5[%mul3A_2, %dma_wait3A_131, %dma_wait3A_132] : memref<1024x100x128xf32, #tpu.memory_space<hbm>> -> memref<1x100x128xf32, #tpu.memory_space<hbm>>
        %dma_wait3A_134 = tpu.memref_squeeze %dma_wait3A_133 : memref<1x100x128xf32, #tpu.memory_space<hbm>> -> memref<100x128xf32, #tpu.memory_space<hbm>>
        %dma_wait3A_135 = arith.constant 0 : i32
        %dma_wait3A_136 = arith.constant 0 : i32
        %dma_wait3A_137 = tpu.memref_slice %arg5[%mul3A_2, %dma_wait3A_135, %dma_wait3A_136] : memref<1024x100x128xf32, #tpu.memory_space<hbm>> -> memref<1x100x128xf32, #tpu.memory_space<hbm>>
        %dma_wait3A_138 = tpu.memref_squeeze %dma_wait3A_137 : memref<1x100x128xf32, #tpu.memory_space<hbm>> -> memref<100x128xf32, #tpu.memory_space<hbm>>
        tpu.wait_dma2 semaphore(%arg14 : memref<!tpu.dma_semaphore, #tpu.memory_space<semaphore_mem>>) src(%arg10 : memref<100x128xf32, #tpu.memory_space<vmem>>) dst(%dma_wait3A_138 : memref<100x128xf32, #tpu.memory_space<hbm>>)
      } else {
      }
      %parallel_loop3A = arith.constant 0 : i32
      %parallel_loop3A_81 = arith.constant 200 : i32
      %parallel_loop3A_82 = arith.constant 1 : i32
      scf.for %parallel_loop3A_131 = %parallel_loop3A to %parallel_loop3A_81 step %parallel_loop3A_82  : i32 {
        %parallel_loop3A_132 = arith.constant 2 : i32
        %parallel_loop3A_133 = arith.constant 0 : i32
        %parallel_loop3A_134 = arith.cmpi eq, %parallel_loop3A_132, %parallel_loop3A_133 : i32
        %parallel_loop3A_135 = arith.constant 1 : i32
        %parallel_loop3A_136 = arith.select %parallel_loop3A_134, %parallel_loop3A_135, %parallel_loop3A_132 : i32
        %parallel_loop3A_137 = arith.remsi %parallel_loop3A_131, %parallel_loop3A_136 : i32
        %parallel_loop3A_138 = arith.constant 0 : i32
        %parallel_loop3A_139 = arith.cmpi ne, %parallel_loop3A_137, %parallel_loop3A_138 : i32
        %parallel_loop3A_140 = arith.constant 0 : i32
        %parallel_loop3A_141 = arith.cmpi slt, %parallel_loop3A_137, %parallel_loop3A_140 : i32
        %parallel_loop3A_142 = arith.constant 0 : i32
        %parallel_loop3A_143 = arith.cmpi slt, %parallel_loop3A_136, %parallel_loop3A_142 : i32
        %parallel_loop3A_144 = arith.xori %parallel_loop3A_141, %parallel_loop3A_143 : i1
        %parallel_loop3A_145 = arith.andi %parallel_loop3A_144, %parallel_loop3A_139 : i1
        %parallel_loop3A_146 = arith.addi %parallel_loop3A_137, %parallel_loop3A_136 : i32
        %parallel_loop3A_147 = arith.select %parallel_loop3A_145, %parallel_loop3A_146, %parallel_loop3A_137 : i32
        %parallel_loop3A_148 = arith.constant 64 : i32
        %parallel_loop3A_149 = arith.muli %parallel_loop3A_147, %parallel_loop3A_148 : i32
        %parallel_loop3A_150 = arith.index_cast %parallel_loop3A_131 : i32 to index
        %parallel_loop3A_151 = arith.constant 0 : index
        %parallel_loop3A_152 = tpu.vector_load %arg8[%parallel_loop3A_150, %parallel_loop3A_151] {strides = array<i32>} : memref<200x128xf32, #tpu.memory_space<vmem>>, vector<16xf32>,
        %parallel_loop3A_153 = arith.index_cast %parallel_loop3A_131 : i32 to index
        %parallel_loop3A_154 = arith.constant 0 : index
        %parallel_loop3A_155 = tpu.vector_load %arg6[%parallel_loop3A_153, %parallel_loop3A_154] {strides = array<i32>} : memref<200x64xf32, #tpu.memory_space<vmem>>, vector<16xf32>,
        %parallel_loop3A_156 = arith.addf %parallel_loop3A_152, %parallel_loop3A_155 : vector<16xf32>
        %parallel_loop3A_157 = arith.constant 2 : i32
        %parallel_loop3A_158 = arith.divsi %parallel_loop3A_131, %parallel_loop3A_157 : i32
        %parallel_loop3A_159 = arith.constant 0 : i32
        %parallel_loop3A_160 = arith.cmpi sgt, %parallel_loop3A_131, %parallel_loop3A_159 : i32
        %parallel_loop3A_161 = arith.extui %parallel_loop3A_160 : i1 to i32
        %parallel_loop3A_162 = arith.constant 0 : i32
        %parallel_loop3A_163 = arith.cmpi slt, %parallel_loop3A_131, %parallel_loop3A_162 : i32
        %parallel_loop3A_164 = arith.extui %parallel_loop3A_163 : i1 to i32
        %parallel_loop3A_165 = arith.subi %parallel_loop3A_161, %parallel_loop3A_164 : i32
        %parallel_loop3A_166 = arith.constant 0 : i32
        %parallel_loop3A_167 = arith.cmpi sgt, %parallel_loop3A_157, %parallel_loop3A_166 : i32
        %parallel_loop3A_168 = arith.extui %parallel_loop3A_167 : i1 to i32
        %parallel_loop3A_169 = arith.constant 0 : i32
        %parallel_loop3A_170 = arith.cmpi slt, %parallel_loop3A_157, %parallel_loop3A_169 : i32
        %parallel_loop3A_171 = arith.extui %parallel_loop3A_170 : i1 to i32
        %parallel_loop3A_172 = arith.subi %parallel_loop3A_168, %parallel_loop3A_171 : i32
        %parallel_loop3A_173 = arith.cmpi ne, %parallel_loop3A_165, %parallel_loop3A_172 : i32
        %parallel_loop3A_174 = arith.remsi %parallel_loop3A_131, %parallel_loop3A_157 : i32
        %parallel_loop3A_175 = arith.constant 0 : i32
        %parallel_loop3A_176 = arith.cmpi ne, %parallel_loop3A_174, %parallel_loop3A_175 : i32
        %parallel_loop3A_177 = arith.andi %parallel_loop3A_173, %parallel_loop3A_176 : i1
        %parallel_loop3A_178 = arith.constant 1 : i32
        %parallel_loop3A_179 = arith.subi %parallel_loop3A_158, %parallel_loop3A_178 : i32
        %parallel_loop3A_180 = arith.select %parallel_loop3A_177, %parallel_loop3A_179, %parallel_loop3A_158 : i32
        %parallel_loop3A_181 = arith.constant 0 : i32
        %parallel_loop3A_182 = arith.addi %parallel_loop3A_149, %parallel_loop3A_181 : i32
        %parallel_loop3A_183 = arith.index_cast %parallel_loop3A_180 : i32 to index
        %parallel_loop3A_184 = arith.index_cast %parallel_loop3A_182 : i32 to index
        %parallel_loop3A_185 = tpu.vector_load %arg10[%parallel_loop3A_183, %parallel_loop3A_184] {strides = array<i32>} : memref<100x128xf32, #tpu.memory_space<vmem>>, vector<16xf32>,
        tpu.vector_store %arg10[%parallel_loop3A_183, %parallel_loop3A_184], %parallel_loop3A_156 {strides = array<i32>} : memref<100x128xf32, #tpu.memory_space<vmem>>, vector<16xf32>,
        %parallel_loop3A_186 = arith.index_cast %parallel_loop3A_131 : i32 to index
        %parallel_loop3A_187 = arith.constant 16 : index
        %parallel_loop3A_188 = tpu.vector_load %arg8[%parallel_loop3A_186, %parallel_loop3A_187] {strides = array<i32>} : memref<200x128xf32, #tpu.memory_space<vmem>>, vector<16xf32>,
        %parallel_loop3A_189 = arith.index_cast %parallel_loop3A_131 : i32 to index
        %parallel_loop3A_190 = arith.constant 16 : index
        %parallel_loop3A_191 = tpu.vector_load %arg6[%parallel_loop3A_189, %parallel_loop3A_190] {strides = array<i32>} : memref<200x64xf32, #tpu.memory_space<vmem>>, vector<16xf32>,
        %parallel_loop3A_192 = arith.addf %parallel_loop3A_188, %parallel_loop3A_191 : vector<16xf32>
        %parallel_loop3A_193 = arith.constant 2 : i32
        %parallel_loop3A_194 = arith.divsi %parallel_loop3A_131, %parallel_loop3A_193 : i32
        %parallel_loop3A_195 = arith.constant 0 : i32
        %parallel_loop3A_196 = arith.cmpi sgt, %parallel_loop3A_131, %parallel_loop3A_195 : i32
        %parallel_loop3A_197 = arith.extui %parallel_loop3A_196 : i1 to i32
        %parallel_loop3A_198 = arith.constant 0 : i32
        %parallel_loop3A_199 = arith.cmpi slt, %parallel_loop3A_131, %parallel_loop3A_198 : i32
        %parallel_loop3A_200 = arith.extui %parallel_loop3A_199 : i1 to i32
        %parallel_loop3A_201 = arith.subi %parallel_loop3A_197, %parallel_loop3A_200 : i32
        %parallel_loop3A_202 = arith.constant 0 : i32
        %parallel_loop3A_203 = arith.cmpi sgt, %parallel_loop3A_193, %parallel_loop3A_202 : i32
        %parallel_loop3A_204 = arith.extui %parallel_loop3A_203 : i1 to i32
        %parallel_loop3A_205 = arith.constant 0 : i32
        %parallel_loop3A_206 = arith.cmpi slt, %parallel_loop3A_193, %parallel_loop3A_205 : i32
        %parallel_loop3A_207 = arith.extui %parallel_loop3A_206 : i1 to i32
        %parallel_loop3A_208 = arith.subi %parallel_loop3A_204, %parallel_loop3A_207 : i32
        %parallel_loop3A_209 = arith.cmpi ne, %parallel_loop3A_201, %parallel_loop3A_208 : i32
        %parallel_loop3A_210 = arith.remsi %parallel_loop3A_131, %parallel_loop3A_193 : i32
        %parallel_loop3A_211 = arith.constant 0 : i32
        %parallel_loop3A_212 = arith.cmpi ne, %parallel_loop3A_210, %parallel_loop3A_211 : i32
        %parallel_loop3A_213 = arith.andi %parallel_loop3A_209, %parallel_loop3A_212 : i1
        %parallel_loop3A_214 = arith.constant 1 : i32
        %parallel_loop3A_215 = arith.subi %parallel_loop3A_194, %parallel_loop3A_214 : i32
        %parallel_loop3A_216 = arith.select %parallel_loop3A_213, %parallel_loop3A_215, %parallel_loop3A_194 : i32
        %parallel_loop3A_217 = arith.constant 16 : i32
        %parallel_loop3A_218 = arith.addi %parallel_loop3A_149, %parallel_loop3A_217 : i32
        %parallel_loop3A_219 = arith.index_cast %parallel_loop3A_216 : i32 to index
        %parallel_loop3A_220 = arith.index_cast %parallel_loop3A_218 : i32 to index
        %parallel_loop3A_221 = tpu.vector_load %arg10[%parallel_loop3A_219, %parallel_loop3A_220] {strides = array<i32>} : memref<100x128xf32, #tpu.memory_space<vmem>>, vector<16xf32>,
        tpu.vector_store %arg10[%parallel_loop3A_219, %parallel_loop3A_220], %parallel_loop3A_192 {strides = array<i32>} : memref<100x128xf32, #tpu.memory_space<vmem>>, vector<16xf32>,
        %parallel_loop3A_222 = arith.index_cast %parallel_loop3A_131 : i32 to index
        %parallel_loop3A_223 = arith.constant 32 : index
        %parallel_loop3A_224 = tpu.vector_load %arg8[%parallel_loop3A_222, %parallel_loop3A_223] {strides = array<i32>} : memref<200x128xf32, #tpu.memory_space<vmem>>, vector<16xf32>,
        %parallel_loop3A_225 = arith.index_cast %parallel_loop3A_131 : i32 to index
        %parallel_loop3A_226 = arith.constant 32 : index
        %parallel_loop3A_227 = tpu.vector_load %arg6[%parallel_loop3A_225, %parallel_loop3A_226] {strides = array<i32>} : memref<200x64xf32, #tpu.memory_space<vmem>>, vector<16xf32>,
        %parallel_loop3A_228 = arith.addf %parallel_loop3A_224, %parallel_loop3A_227 : vector<16xf32>
        %parallel_loop3A_229 = arith.constant 2 : i32
        %parallel_loop3A_230 = arith.divsi %parallel_loop3A_131, %parallel_loop3A_229 : i32
        %parallel_loop3A_231 = arith.constant 0 : i32
        %parallel_loop3A_232 = arith.cmpi sgt, %parallel_loop3A_131, %parallel_loop3A_231 : i32
        %parallel_loop3A_233 = arith.extui %parallel_loop3A_232 : i1 to i32
        %parallel_loop3A_234 = arith.constant 0 : i32
        %parallel_loop3A_235 = arith.cmpi slt, %parallel_loop3A_131, %parallel_loop3A_234 : i32
        %parallel_loop3A_236 = arith.extui %parallel_loop3A_235 : i1 to i32
        %parallel_loop3A_237 = arith.subi %parallel_loop3A_233, %parallel_loop3A_236 : i32
        %parallel_loop3A_238 = arith.constant 0 : i32
        %parallel_loop3A_239 = arith.cmpi sgt, %parallel_loop3A_229, %parallel_loop3A_238 : i32
        %parallel_loop3A_240 = arith.extui %parallel_loop3A_239 : i1 to i32
        %parallel_loop3A_241 = arith.constant 0 : i32
        %parallel_loop3A_242 = arith.cmpi slt, %parallel_loop3A_229, %parallel_loop3A_241 : i32
        %parallel_loop3A_243 = arith.extui %parallel_loop3A_242 : i1 to i32
        %parallel_loop3A_244 = arith.subi %parallel_loop3A_240, %parallel_loop3A_243 : i32
        %parallel_loop3A_245 = arith.cmpi ne, %parallel_loop3A_237, %parallel_loop3A_244 : i32
        %parallel_loop3A_246 = arith.remsi %parallel_loop3A_131, %parallel_loop3A_229 : i32
        %parallel_loop3A_247 = arith.constant 0 : i32
        %parallel_loop3A_248 = arith.cmpi ne, %parallel_loop3A_246, %parallel_loop3A_247 : i32
        %parallel_loop3A_249 = arith.andi %parallel_loop3A_245, %parallel_loop3A_248 : i1
        %parallel_loop3A_250 = arith.constant 1 : i32
        %parallel_loop3A_251 = arith.subi %parallel_loop3A_230, %parallel_loop3A_250 : i32
        %parallel_loop3A_252 = arith.select %parallel_loop3A_249, %parallel_loop3A_251, %parallel_loop3A_230 : i32
        %parallel_loop3A_253 = arith.constant 32 : i32
        %parallel_loop3A_254 = arith.addi %parallel_loop3A_149, %parallel_loop3A_253 : i32
        %parallel_loop3A_255 = arith.index_cast %parallel_loop3A_252 : i32 to index
        %parallel_loop3A_256 = arith.index_cast %parallel_loop3A_254 : i32 to index
        %parallel_loop3A_257 = tpu.vector_load %arg10[%parallel_loop3A_255, %parallel_loop3A_256] {strides = array<i32>} : memref<100x128xf32, #tpu.memory_space<vmem>>, vector<16xf32>,
        tpu.vector_store %arg10[%parallel_loop3A_255, %parallel_loop3A_256], %parallel_loop3A_228 {strides = array<i32>} : memref<100x128xf32, #tpu.memory_space<vmem>>, vector<16xf32>,
        %parallel_loop3A_258 = arith.index_cast %parallel_loop3A_131 : i32 to index
        %parallel_loop3A_259 = arith.constant 48 : index
        %parallel_loop3A_260 = tpu.vector_load %arg8[%parallel_loop3A_258, %parallel_loop3A_259] {strides = array<i32>} : memref<200x128xf32, #tpu.memory_space<vmem>>, vector<16xf32>,
        %parallel_loop3A_261 = arith.index_cast %parallel_loop3A_131 : i32 to index
        %parallel_loop3A_262 = arith.constant 48 : index
        %parallel_loop3A_263 = tpu.vector_load %arg6[%parallel_loop3A_261, %parallel_loop3A_262] {strides = array<i32>} : memref<200x64xf32, #tpu.memory_space<vmem>>, vector<16xf32>,
        %parallel_loop3A_264 = arith.addf %parallel_loop3A_260, %parallel_loop3A_263 : vector<16xf32>
        %parallel_loop3A_265 = arith.constant 2 : i32
        %parallel_loop3A_266 = arith.divsi %parallel_loop3A_131, %parallel_loop3A_265 : i32
        %parallel_loop3A_267 = arith.constant 0 : i32
        %parallel_loop3A_268 = arith.cmpi sgt, %parallel_loop3A_131, %parallel_loop3A_267 : i32
        %parallel_loop3A_269 = arith.extui %parallel_loop3A_268 : i1 to i32
        %parallel_loop3A_270 = arith.constant 0 : i32
        %parallel_loop3A_271 = arith.cmpi slt, %parallel_loop3A_131, %parallel_loop3A_270 : i32
        %parallel_loop3A_272 = arith.extui %parallel_loop3A_271 : i1 to i32
        %parallel_loop3A_273 = arith.subi %parallel_loop3A_269, %parallel_loop3A_272 : i32
        %parallel_loop3A_274 = arith.constant 0 : i32
        %parallel_loop3A_275 = arith.cmpi sgt, %parallel_loop3A_265, %parallel_loop3A_274 : i32
        %parallel_loop3A_276 = arith.extui %parallel_loop3A_275 : i1 to i32
        %parallel_loop3A_277 = arith.constant 0 : i32
        %parallel_loop3A_278 = arith.cmpi slt, %parallel_loop3A_265, %parallel_loop3A_277 : i32
        %parallel_loop3A_279 = arith.extui %parallel_loop3A_278 : i1 to i32
        %parallel_loop3A_280 = arith.subi %parallel_loop3A_276, %parallel_loop3A_279 : i32
        %parallel_loop3A_281 = arith.cmpi ne, %parallel_loop3A_273, %parallel_loop3A_280 : i32
        %parallel_loop3A_282 = arith.remsi %parallel_loop3A_131, %parallel_loop3A_265 : i32
        %parallel_loop3A_283 = arith.constant 0 : i32
        %parallel_loop3A_284 = arith.cmpi ne, %parallel_loop3A_282, %parallel_loop3A_283 : i32
        %parallel_loop3A_285 = arith.andi %parallel_loop3A_281, %parallel_loop3A_284 : i1
        %parallel_loop3A_286 = arith.constant 1 : i32
        %parallel_loop3A_287 = arith.subi %parallel_loop3A_266, %parallel_loop3A_286 : i32
        %parallel_loop3A_288 = arith.select %parallel_loop3A_285, %parallel_loop3A_287, %parallel_loop3A_266 : i32
        %parallel_loop3A_289 = arith.constant 48 : i32
        %parallel_loop3A_290 = arith.addi %parallel_loop3A_149, %parallel_loop3A_289 : i32
        %parallel_loop3A_291 = arith.index_cast %parallel_loop3A_288 : i32 to index
        %parallel_loop3A_292 = arith.index_cast %parallel_loop3A_290 : i32 to index
        %parallel_loop3A_293 = tpu.vector_load %arg10[%parallel_loop3A_291, %parallel_loop3A_292] {strides = array<i32>} : memref<100x128xf32, #tpu.memory_space<vmem>>, vector<16xf32>,
        tpu.vector_store %arg10[%parallel_loop3A_291, %parallel_loop3A_292], %parallel_loop3A_264 {strides = array<i32>} : memref<100x128xf32, #tpu.memory_space<vmem>>, vector<16xf32>,
      } {sc.loop_unroll_factor = 2 : i64, sc.parallel_access}
      %add3A_83 = arith.addi %mul3A_2, %mul3A_41 : i32
      %dma_start3A_84 = arith.constant 0 : i32
      %dma_start3A_85 = arith.constant 0 : i32
      %dma_start3A_86 = tpu.memref_slice %arg5[%add3A_83, %dma_start3A_84, %dma_start3A_85] : memref<1024x100x128xf32, #tpu.memory_space<hbm>> -> memref<1x100x128xf32, #tpu.memory_space<hbm>>
      %dma_start3A_87 = tpu.memref_squeeze %dma_start3A_86 : memref<1x100x128xf32, #tpu.memory_space<hbm>> -> memref<100x128xf32, #tpu.memory_space<hbm>>
      %dma_start3A_88 = arith.constant 0 : i32
      %dma_start3A_89 = arith.constant 0 : i32
      %dma_start3A_90 = tpu.memref_slice %arg5[%add3A_83, %dma_start3A_88, %dma_start3A_89] : memref<1024x100x128xf32, #tpu.memory_space<hbm>> -> memref<1x100x128xf32, #tpu.memory_space<hbm>>
      %dma_start3A_91 = tpu.memref_squeeze %dma_start3A_90 : memref<1x100x128xf32, #tpu.memory_space<hbm>> -> memref<100x128xf32, #tpu.memory_space<hbm>>
      tpu.enqueue_dma source(%arg10 : memref<100x128xf32, #tpu.memory_space<vmem>>) target(%dma_start3A_91 : memref<100x128xf32, #tpu.memory_space<hbm>>) target_semaphore(%arg14 : memref<!tpu.dma_semaphore, #tpu.memory_space<semaphore_mem>>)
      %dma_wait3A_92 = arith.constant 0 : i32
      %dma_wait3A_93 = arith.constant 0 : i32
      %dma_wait3A_94 = tpu.memref_slice %arg9[%dma_wait3A_92, %dma_wait3A_93] : memref<200x128xf32, #tpu.memory_space<vmem>> -> memref<96x128xf32, #tpu.memory_space<vmem>>
      %dma_wait3A_95 = arith.constant 0 : i32
      %dma_wait3A_96 = tpu.memref_slice %arg7[%dma_wait3A_95] : memref<6400xi32, #tpu.memory_space<vmem>> -> memref<96xi32, #tpu.memory_space<vmem>>
      %dma_wait3A_97 = arith.constant 0 : i32
      %dma_wait3A_98 = arith.constant 0 : i32
      %dma_wait3A_99 = tpu.memref_slice %arg3[%dma_wait3A_97, %dma_wait3A_98] : memref<1000000x128xf32, #tpu.memory_space<hbm>> -> memref<1000000x128xf32, #tpu.memory_space<hbm>>
      tpu.wait_indirect_dma semaphore(%arg13 : memref<!tpu.dma_semaphore, #tpu.memory_space<semaphore_mem>>) src(%dma_wait3A_99 : memref<1000000x128xf32, #tpu.memory_space<hbm>>) dst(%dma_wait3A_94 : memref<96x128xf32, #tpu.memory_space<vmem>>)
      %dma_wait3A_100 = arith.constant 96 : i32
      %dma_wait3A_101 = arith.constant 0 : i32
      %dma_wait3A_102 = tpu.memref_slice %arg9[%dma_wait3A_100, %dma_wait3A_101] : memref<200x128xf32, #tpu.memory_space<vmem>> -> memref<104x128xf32, #tpu.memory_space<vmem>>
      %dma_wait3A_103 = arith.constant 96 : i32
      %dma_wait3A_104 = tpu.memref_slice %arg7[%dma_wait3A_103] : memref<6400xi32, #tpu.memory_space<vmem>> -> memref<104xi32, #tpu.memory_space<vmem>>
      %dma_wait3A_105 = arith.constant 0 : i32
      %dma_wait3A_106 = arith.constant 0 : i32
      %dma_wait3A_107 = tpu.memref_slice %arg3[%dma_wait3A_105, %dma_wait3A_106] : memref<1000000x128xf32, #tpu.memory_space<hbm>> -> memref<1000000x128xf32, #tpu.memory_space<hbm>>
      tpu.wait_indirect_dma semaphore(%arg13 : memref<!tpu.dma_semaphore, #tpu.memory_space<semaphore_mem>>) src(%dma_wait3A_107 : memref<1000000x128xf32, #tpu.memory_space<hbm>>) dst(%dma_wait3A_102 : memref<104x128xf32, #tpu.memory_space<vmem>>)
      %lt3A = arith.constant 15 : i32
      %lt3A_108 = arith.cmpi slt, %scan3A_39, %lt3A : i32
      %convert_element_type3A_109 = arith.extui %lt3A_108 : i1 to i32
      %cond3A_110 = arith.constant 0 : i32
      %cond3A_111 = arith.cmpi ne, %convert_element_type3A_109, %cond3A_110 : i32
      scf.if %cond3A_111 {
        %add3A_131 = arith.constant 2 : i32
        %add3A_132 = arith.addi %mul3A_41, %add3A_131 : i32
        %mul3A_133 = arith.constant 200 : i32
        %mul3A_134 = arith.muli %add3A_132, %mul3A_133 : i32
        %multiple_of3A_135 = tpu.assume_multiple %mul3A_134, 8 : i32
        %dma_start3A_136 = arith.constant 0 : i32
        %dma_start3A_137 = arith.constant 0 : i32
        %dma_start3A_138 = tpu.memref_slice %arg8[%dma_start3A_136, %dma_start3A_137] : memref<200x128xf32, #tpu.memory_space<vmem>> -> memref<96x128xf32, #tpu.memory_space<vmem>>
        %dma_start3A_139 = tpu.memref_slice %arg7[%multiple_of3A_135] : memref<6400xi32, #tpu.memory_space<vmem>> -> memref<96xi32, #tpu.memory_space<vmem>>
        %dma_start3A_140 = arith.constant 0 : i32
        %dma_start3A_141 = arith.constant 0 : i32
        %dma_start3A_142 = tpu.memref_slice %arg3[%dma_start3A_140, %dma_start3A_141] : memref<1000000x128xf32, #tpu.memory_space<hbm>> -> memref<1000000x128xf32, #tpu.memory_space<hbm>>
        tpu.enqueue_indirect_dma source(%dma_start3A_142 : memref<1000000x128xf32, #tpu.memory_space<hbm>>) target(%dma_start3A_138 : memref<96x128xf32, #tpu.memory_space<vmem>>) offsets(%dma_start3A_139 : memref<96xi32, #tpu.memory_space<vmem>>) semaphore(%arg12 : memref<!tpu.dma_semaphore, #tpu.memory_space<semaphore_mem>>)
        %add3A_143 = arith.constant 96 : i32
        %add3A_144 = arith.addi %multiple_of3A_135, %add3A_143 : i32
        %dma_start3A_145 = arith.constant 96 : i32
        %dma_start3A_146 = arith.constant 0 : i32
        %dma_start3A_147 = tpu.memref_slice %arg8[%dma_start3A_145, %dma_start3A_146] : memref<200x128xf32, #tpu.memory_space<vmem>> -> memref<104x128xf32, #tpu.memory_space<vmem>>
        %dma_start3A_148 = tpu.memref_slice %arg7[%add3A_144] : memref<6400xi32, #tpu.memory_space<vmem>> -> memref<104xi32, #tpu.memory_space<vmem>>
        %dma_start3A_149 = arith.constant 0 : i32
        %dma_start3A_150 = arith.constant 0 : i32
        %dma_start3A_151 = tpu.memref_slice %arg3[%dma_start3A_149, %dma_start3A_150] : memref<1000000x128xf32, #tpu.memory_space<hbm>> -> memref<1000000x128xf32, #tpu.memory_space<hbm>>
        tpu.enqueue_indirect_dma source(%dma_start3A_151 : memref<1000000x128xf32, #tpu.memory_space<hbm>>) target(%dma_start3A_147 : memref<104x128xf32, #tpu.memory_space<vmem>>) offsets(%dma_start3A_148 : memref<104xi32, #tpu.memory_space<vmem>>) semaphore(%arg12 : memref<!tpu.dma_semaphore, #tpu.memory_space<semaphore_mem>>)
      } else {
      }
      %add3A_112 = arith.constant 1 : i32
      %add3A_113 = arith.addi %mul3A_41, %add3A_112 : i32
      %ge3A_114 = arith.constant 1 : i32
      %ge3A_115 = arith.cmpi sge, %scan3A_39, %ge3A_114 : i32
      %convert_element_type3A_116 = arith.extui %ge3A_115 : i1 to i32
      %cond3A_117 = arith.constant 0 : i32
      %cond3A_118 = arith.cmpi ne, %convert_element_type3A_116, %cond3A_117 : i32
      scf.if %cond3A_118 {
        %dma_wait3A_131 = arith.constant 0 : i32
        %dma_wait3A_132 = arith.constant 0 : i32
        %dma_wait3A_133 = tpu.memref_slice %arg5[%mul3A_2, %dma_wait3A_131, %dma_wait3A_132] : memref<1024x100x128xf32, #tpu.memory_space<hbm>> -> memref<1x100x128xf32, #tpu.memory_space<hbm>>
        %dma_wait3A_134 = tpu.memref_squeeze %dma_wait3A_133 : memref<1x100x128xf32, #tpu.memory_space<hbm>> -> memref<100x128xf32, #tpu.memory_space<hbm>>
        %dma_wait3A_135 = arith.constant 0 : i32
        %dma_wait3A_136 = arith.constant 0 : i32
        %dma_wait3A_137 = tpu.memref_slice %arg5[%mul3A_2, %dma_wait3A_135, %dma_wait3A_136] : memref<1024x100x128xf32, #tpu.memory_space<hbm>> -> memref<1x100x128xf32, #tpu.memory_space<hbm>>
        %dma_wait3A_138 = tpu.memref_squeeze %dma_wait3A_137 : memref<1x100x128xf32, #tpu.memory_space<hbm>> -> memref<100x128xf32, #tpu.memory_space<hbm>>
        tpu.wait_dma2 semaphore(%arg15 : memref<!tpu.dma_semaphore, #tpu.memory_space<semaphore_mem>>) src(%arg11 : memref<100x128xf32, #tpu.memory_space<vmem>>) dst(%dma_wait3A_138 : memref<100x128xf32, #tpu.memory_space<hbm>>)
      } else {
      }
      %parallel_loop3A_119 = arith.constant 0 : i32
      %parallel_loop3A_120 = arith.constant 200 : i32
      %parallel_loop3A_121 = arith.constant 1 : i32
      scf.for %parallel_loop3A_131 = %parallel_loop3A_119 to %parallel_loop3A_120 step %parallel_loop3A_121  : i32 {
        %parallel_loop3A_132 = arith.constant 2 : i32
        %parallel_loop3A_133 = arith.constant 0 : i32
        %parallel_loop3A_134 = arith.cmpi eq, %parallel_loop3A_132, %parallel_loop3A_133 : i32
        %parallel_loop3A_135 = arith.constant 1 : i32
        %parallel_loop3A_136 = arith.select %parallel_loop3A_134, %parallel_loop3A_135, %parallel_loop3A_132 : i32
        %parallel_loop3A_137 = arith.remsi %parallel_loop3A_131, %parallel_loop3A_136 : i32
        %parallel_loop3A_138 = arith.constant 0 : i32
        %parallel_loop3A_139 = arith.cmpi ne, %parallel_loop3A_137, %parallel_loop3A_138 : i32
        %parallel_loop3A_140 = arith.constant 0 : i32
        %parallel_loop3A_141 = arith.cmpi slt, %parallel_loop3A_137, %parallel_loop3A_140 : i32
        %parallel_loop3A_142 = arith.constant 0 : i32
        %parallel_loop3A_143 = arith.cmpi slt, %parallel_loop3A_136, %parallel_loop3A_142 : i32
        %parallel_loop3A_144 = arith.xori %parallel_loop3A_141, %parallel_loop3A_143 : i1
        %parallel_loop3A_145 = arith.andi %parallel_loop3A_144, %parallel_loop3A_139 : i1
        %parallel_loop3A_146 = arith.addi %parallel_loop3A_137, %parallel_loop3A_136 : i32
        %parallel_loop3A_147 = arith.select %parallel_loop3A_145, %parallel_loop3A_146, %parallel_loop3A_137 : i32
        %parallel_loop3A_148 = arith.constant 64 : i32
        %parallel_loop3A_149 = arith.muli %parallel_loop3A_147, %parallel_loop3A_148 : i32
        %parallel_loop3A_150 = arith.index_cast %parallel_loop3A_131 : i32 to index
        %parallel_loop3A_151 = arith.constant 0 : index
        %parallel_loop3A_152 = tpu.vector_load %arg9[%parallel_loop3A_150, %parallel_loop3A_151] {strides = array<i32>} : memref<200x128xf32, #tpu.memory_space<vmem>>, vector<16xf32>,
        %parallel_loop3A_153 = arith.index_cast %parallel_loop3A_131 : i32 to index
        %parallel_loop3A_154 = arith.constant 0 : index
        %parallel_loop3A_155 = tpu.vector_load %arg6[%parallel_loop3A_153, %parallel_loop3A_154] {strides = array<i32>} : memref<200x64xf32, #tpu.memory_space<vmem>>, vector<16xf32>,
        %parallel_loop3A_156 = arith.addf %parallel_loop3A_152, %parallel_loop3A_155 : vector<16xf32>
        %parallel_loop3A_157 = arith.constant 2 : i32
        %parallel_loop3A_158 = arith.divsi %parallel_loop3A_131, %parallel_loop3A_157 : i32
        %parallel_loop3A_159 = arith.constant 0 : i32
        %parallel_loop3A_160 = arith.cmpi sgt, %parallel_loop3A_131, %parallel_loop3A_159 : i32
        %parallel_loop3A_161 = arith.extui %parallel_loop3A_160 : i1 to i32
        %parallel_loop3A_162 = arith.constant 0 : i32
        %parallel_loop3A_163 = arith.cmpi slt, %parallel_loop3A_131, %parallel_loop3A_162 : i32
        %parallel_loop3A_164 = arith.extui %parallel_loop3A_163 : i1 to i32
        %parallel_loop3A_165 = arith.subi %parallel_loop3A_161, %parallel_loop3A_164 : i32
        %parallel_loop3A_166 = arith.constant 0 : i32
        %parallel_loop3A_167 = arith.cmpi sgt, %parallel_loop3A_157, %parallel_loop3A_166 : i32
        %parallel_loop3A_168 = arith.extui %parallel_loop3A_167 : i1 to i32
        %parallel_loop3A_169 = arith.constant 0 : i32
        %parallel_loop3A_170 = arith.cmpi slt, %parallel_loop3A_157, %parallel_loop3A_169 : i32
        %parallel_loop3A_171 = arith.extui %parallel_loop3A_170 : i1 to i32
        %parallel_loop3A_172 = arith.subi %parallel_loop3A_168, %parallel_loop3A_171 : i32
        %parallel_loop3A_173 = arith.cmpi ne, %parallel_loop3A_165, %parallel_loop3A_172 : i32
        %parallel_loop3A_174 = arith.remsi %parallel_loop3A_131, %parallel_loop3A_157 : i32
        %parallel_loop3A_175 = arith.constant 0 : i32
        %parallel_loop3A_176 = arith.cmpi ne, %parallel_loop3A_174, %parallel_loop3A_175 : i32
        %parallel_loop3A_177 = arith.andi %parallel_loop3A_173, %parallel_loop3A_176 : i1
        %parallel_loop3A_178 = arith.constant 1 : i32
        %parallel_loop3A_179 = arith.subi %parallel_loop3A_158, %parallel_loop3A_178 : i32
        %parallel_loop3A_180 = arith.select %parallel_loop3A_177, %parallel_loop3A_179, %parallel_loop3A_158 : i32
        %parallel_loop3A_181 = arith.constant 0 : i32
        %parallel_loop3A_182 = arith.addi %parallel_loop3A_149, %parallel_loop3A_181 : i32
        %parallel_loop3A_183 = arith.index_cast %parallel_loop3A_180 : i32 to index
        %parallel_loop3A_184 = arith.index_cast %parallel_loop3A_182 : i32 to index
        %parallel_loop3A_185 = tpu.vector_load %arg11[%parallel_loop3A_183, %parallel_loop3A_184] {strides = array<i32>} : memref<100x128xf32, #tpu.memory_space<vmem>>, vector<16xf32>,
        tpu.vector_store %arg11[%parallel_loop3A_183, %parallel_loop3A_184], %parallel_loop3A_156 {strides = array<i32>} : memref<100x128xf32, #tpu.memory_space<vmem>>, vector<16xf32>,
        %parallel_loop3A_186 = arith.index_cast %parallel_loop3A_131 : i32 to index
        %parallel_loop3A_187 = arith.constant 16 : index
        %parallel_loop3A_188 = tpu.vector_load %arg9[%parallel_loop3A_186, %parallel_loop3A_187] {strides = array<i32>} : memref<200x128xf32, #tpu.memory_space<vmem>>, vector<16xf32>,
        %parallel_loop3A_189 = arith.index_cast %parallel_loop3A_131 : i32 to index
        %parallel_loop3A_190 = arith.constant 16 : index
        %parallel_loop3A_191 = tpu.vector_load %arg6[%parallel_loop3A_189, %parallel_loop3A_190] {strides = array<i32>} : memref<200x64xf32, #tpu.memory_space<vmem>>, vector<16xf32>,
        %parallel_loop3A_192 = arith.addf %parallel_loop3A_188, %parallel_loop3A_191 : vector<16xf32>
        %parallel_loop3A_193 = arith.constant 2 : i32
        %parallel_loop3A_194 = arith.divsi %parallel_loop3A_131, %parallel_loop3A_193 : i32
        %parallel_loop3A_195 = arith.constant 0 : i32
        %parallel_loop3A_196 = arith.cmpi sgt, %parallel_loop3A_131, %parallel_loop3A_195 : i32
        %parallel_loop3A_197 = arith.extui %parallel_loop3A_196 : i1 to i32
        %parallel_loop3A_198 = arith.constant 0 : i32
        %parallel_loop3A_199 = arith.cmpi slt, %parallel_loop3A_131, %parallel_loop3A_198 : i32
        %parallel_loop3A_200 = arith.extui %parallel_loop3A_199 : i1 to i32
        %parallel_loop3A_201 = arith.subi %parallel_loop3A_197, %parallel_loop3A_200 : i32
        %parallel_loop3A_202 = arith.constant 0 : i32
        %parallel_loop3A_203 = arith.cmpi sgt, %parallel_loop3A_193, %parallel_loop3A_202 : i32
        %parallel_loop3A_204 = arith.extui %parallel_loop3A_203 : i1 to i32
        %parallel_loop3A_205 = arith.constant 0 : i32
        %parallel_loop3A_206 = arith.cmpi slt, %parallel_loop3A_193, %parallel_loop3A_205 : i32
        %parallel_loop3A_207 = arith.extui %parallel_loop3A_206 : i1 to i32
        %parallel_loop3A_208 = arith.subi %parallel_loop3A_204, %parallel_loop3A_207 : i32
        %parallel_loop3A_209 = arith.cmpi ne, %parallel_loop3A_201, %parallel_loop3A_208 : i32
        %parallel_loop3A_210 = arith.remsi %parallel_loop3A_131, %parallel_loop3A_193 : i32
        %parallel_loop3A_211 = arith.constant 0 : i32
        %parallel_loop3A_212 = arith.cmpi ne, %parallel_loop3A_210, %parallel_loop3A_211 : i32
        %parallel_loop3A_213 = arith.andi %parallel_loop3A_209, %parallel_loop3A_212 : i1
        %parallel_loop3A_214 = arith.constant 1 : i32
        %parallel_loop3A_215 = arith.subi %parallel_loop3A_194, %parallel_loop3A_214 : i32
        %parallel_loop3A_216 = arith.select %parallel_loop3A_213, %parallel_loop3A_215, %parallel_loop3A_194 : i32
        %parallel_loop3A_217 = arith.constant 16 : i32
        %parallel_loop3A_218 = arith.addi %parallel_loop3A_149, %parallel_loop3A_217 : i32
        %parallel_loop3A_219 = arith.index_cast %parallel_loop3A_216 : i32 to index
        %parallel_loop3A_220 = arith.index_cast %parallel_loop3A_218 : i32 to index
        %parallel_loop3A_221 = tpu.vector_load %arg11[%parallel_loop3A_219, %parallel_loop3A_220] {strides = array<i32>} : memref<100x128xf32, #tpu.memory_space<vmem>>, vector<16xf32>,
        tpu.vector_store %arg11[%parallel_loop3A_219, %parallel_loop3A_220], %parallel_loop3A_192 {strides = array<i32>} : memref<100x128xf32, #tpu.memory_space<vmem>>, vector<16xf32>,
        %parallel_loop3A_222 = arith.index_cast %parallel_loop3A_131 : i32 to index
        %parallel_loop3A_223 = arith.constant 32 : index
        %parallel_loop3A_224 = tpu.vector_load %arg9[%parallel_loop3A_222, %parallel_loop3A_223] {strides = array<i32>} : memref<200x128xf32, #tpu.memory_space<vmem>>, vector<16xf32>,
        %parallel_loop3A_225 = arith.index_cast %parallel_loop3A_131 : i32 to index
        %parallel_loop3A_226 = arith.constant 32 : index
        %parallel_loop3A_227 = tpu.vector_load %arg6[%parallel_loop3A_225, %parallel_loop3A_226] {strides = array<i32>} : memref<200x64xf32, #tpu.memory_space<vmem>>, vector<16xf32>,
        %parallel_loop3A_228 = arith.addf %parallel_loop3A_224, %parallel_loop3A_227 : vector<16xf32>
        %parallel_loop3A_229 = arith.constant 2 : i32
        %parallel_loop3A_230 = arith.divsi %parallel_loop3A_131, %parallel_loop3A_229 : i32
        %parallel_loop3A_231 = arith.constant 0 : i32
        %parallel_loop3A_232 = arith.cmpi sgt, %parallel_loop3A_131, %parallel_loop3A_231 : i32
        %parallel_loop3A_233 = arith.extui %parallel_loop3A_232 : i1 to i32
        %parallel_loop3A_234 = arith.constant 0 : i32
        %parallel_loop3A_235 = arith.cmpi slt, %parallel_loop3A_131, %parallel_loop3A_234 : i32
        %parallel_loop3A_236 = arith.extui %parallel_loop3A_235 : i1 to i32
        %parallel_loop3A_237 = arith.subi %parallel_loop3A_233, %parallel_loop3A_236 : i32
        %parallel_loop3A_238 = arith.constant 0 : i32
        %parallel_loop3A_239 = arith.cmpi sgt, %parallel_loop3A_229, %parallel_loop3A_238 : i32
        %parallel_loop3A_240 = arith.extui %parallel_loop3A_239 : i1 to i32
        %parallel_loop3A_241 = arith.constant 0 : i32
        %parallel_loop3A_242 = arith.cmpi slt, %parallel_loop3A_229, %parallel_loop3A_241 : i32
        %parallel_loop3A_243 = arith.extui %parallel_loop3A_242 : i1 to i32
        %parallel_loop3A_244 = arith.subi %parallel_loop3A_240, %parallel_loop3A_243 : i32
        %parallel_loop3A_245 = arith.cmpi ne, %parallel_loop3A_237, %parallel_loop3A_244 : i32
        %parallel_loop3A_246 = arith.remsi %parallel_loop3A_131, %parallel_loop3A_229 : i32
        %parallel_loop3A_247 = arith.constant 0 : i32
        %parallel_loop3A_248 = arith.cmpi ne, %parallel_loop3A_246, %parallel_loop3A_247 : i32
        %parallel_loop3A_249 = arith.andi %parallel_loop3A_245, %parallel_loop3A_248 : i1
        %parallel_loop3A_250 = arith.constant 1 : i32
        %parallel_loop3A_251 = arith.subi %parallel_loop3A_230, %parallel_loop3A_250 : i32
        %parallel_loop3A_252 = arith.select %parallel_loop3A_249, %parallel_loop3A_251, %parallel_loop3A_230 : i32
        %parallel_loop3A_253 = arith.constant 32 : i32
        %parallel_loop3A_254 = arith.addi %parallel_loop3A_149, %parallel_loop3A_253 : i32
        %parallel_loop3A_255 = arith.index_cast %parallel_loop3A_252 : i32 to index
        %parallel_loop3A_256 = arith.index_cast %parallel_loop3A_254 : i32 to index
        %parallel_loop3A_257 = tpu.vector_load %arg11[%parallel_loop3A_255, %parallel_loop3A_256] {strides = array<i32>} : memref<100x128xf32, #tpu.memory_space<vmem>>, vector<16xf32>,
        tpu.vector_store %arg11[%parallel_loop3A_255, %parallel_loop3A_256], %parallel_loop3A_228 {strides = array<i32>} : memref<100x128xf32, #tpu.memory_space<vmem>>, vector<16xf32>,
        %parallel_loop3A_258 = arith.index_cast %parallel_loop3A_131 : i32 to index
        %parallel_loop3A_259 = arith.constant 48 : index
        %parallel_loop3A_260 = tpu.vector_load %arg9[%parallel_loop3A_258, %parallel_loop3A_259] {strides = array<i32>} : memref<200x128xf32, #tpu.memory_space<vmem>>, vector<16xf32>,
        %parallel_loop3A_261 = arith.index_cast %parallel_loop3A_131 : i32 to index
        %parallel_loop3A_262 = arith.constant 48 : index
        %parallel_loop3A_263 = tpu.vector_load %arg6[%parallel_loop3A_261, %parallel_loop3A_262] {strides = array<i32>} : memref<200x64xf32, #tpu.memory_space<vmem>>, vector<16xf32>,
        %parallel_loop3A_264 = arith.addf %parallel_loop3A_260, %parallel_loop3A_263 : vector<16xf32>
        %parallel_loop3A_265 = arith.constant 2 : i32
        %parallel_loop3A_266 = arith.divsi %parallel_loop3A_131, %parallel_loop3A_265 : i32
        %parallel_loop3A_267 = arith.constant 0 : i32
        %parallel_loop3A_268 = arith.cmpi sgt, %parallel_loop3A_131, %parallel_loop3A_267 : i32
        %parallel_loop3A_269 = arith.extui %parallel_loop3A_268 : i1 to i32
        %parallel_loop3A_270 = arith.constant 0 : i32
        %parallel_loop3A_271 = arith.cmpi slt, %parallel_loop3A_131, %parallel_loop3A_270 : i32
        %parallel_loop3A_272 = arith.extui %parallel_loop3A_271 : i1 to i32
        %parallel_loop3A_273 = arith.subi %parallel_loop3A_269, %parallel_loop3A_272 : i32
        %parallel_loop3A_274 = arith.constant 0 : i32
        %parallel_loop3A_275 = arith.cmpi sgt, %parallel_loop3A_265, %parallel_loop3A_274 : i32
        %parallel_loop3A_276 = arith.extui %parallel_loop3A_275 : i1 to i32
        %parallel_loop3A_277 = arith.constant 0 : i32
        %parallel_loop3A_278 = arith.cmpi slt, %parallel_loop3A_265, %parallel_loop3A_277 : i32
        %parallel_loop3A_279 = arith.extui %parallel_loop3A_278 : i1 to i32
        %parallel_loop3A_280 = arith.subi %parallel_loop3A_276, %parallel_loop3A_279 : i32
        %parallel_loop3A_281 = arith.cmpi ne, %parallel_loop3A_273, %parallel_loop3A_280 : i32
        %parallel_loop3A_282 = arith.remsi %parallel_loop3A_131, %parallel_loop3A_265 : i32
        %parallel_loop3A_283 = arith.constant 0 : i32
        %parallel_loop3A_284 = arith.cmpi ne, %parallel_loop3A_282, %parallel_loop3A_283 : i32
        %parallel_loop3A_285 = arith.andi %parallel_loop3A_281, %parallel_loop3A_284 : i1
        %parallel_loop3A_286 = arith.constant 1 : i32
        %parallel_loop3A_287 = arith.subi %parallel_loop3A_266, %parallel_loop3A_286 : i32
        %parallel_loop3A_288 = arith.select %parallel_loop3A_285, %parallel_loop3A_287, %parallel_loop3A_266 : i32
        %parallel_loop3A_289 = arith.constant 48 : i32
        %parallel_loop3A_290 = arith.addi %parallel_loop3A_149, %parallel_loop3A_289 : i32
        %parallel_loop3A_291 = arith.index_cast %parallel_loop3A_288 : i32 to index
        %parallel_loop3A_292 = arith.index_cast %parallel_loop3A_290 : i32 to index
        %parallel_loop3A_293 = tpu.vector_load %arg11[%parallel_loop3A_291, %parallel_loop3A_292] {strides = array<i32>} : memref<100x128xf32, #tpu.memory_space<vmem>>, vector<16xf32>,
        tpu.vector_store %arg11[%parallel_loop3A_291, %parallel_loop3A_292], %parallel_loop3A_264 {strides = array<i32>} : memref<100x128xf32, #tpu.memory_space<vmem>>, vector<16xf32>,
      } {sc.loop_unroll_factor = 2 : i64, sc.parallel_access}
      %add3A_122 = arith.addi %mul3A_2, %add3A_113 : i32
      %dma_start3A_123 = arith.constant 0 : i32
      %dma_start3A_124 = arith.constant 0 : i32
      %dma_start3A_125 = tpu.memref_slice %arg5[%add3A_122, %dma_start3A_123, %dma_start3A_124] : memref<1024x100x128xf32, #tpu.memory_space<hbm>> -> memref<1x100x128xf32, #tpu.memory_space<hbm>>
      %dma_start3A_126 = tpu.memref_squeeze %dma_start3A_125 : memref<1x100x128xf32, #tpu.memory_space<hbm>> -> memref<100x128xf32, #tpu.memory_space<hbm>>
      %dma_start3A_127 = arith.constant 0 : i32
      %dma_start3A_128 = arith.constant 0 : i32
      %dma_start3A_129 = tpu.memref_slice %arg5[%add3A_122, %dma_start3A_127, %dma_start3A_128] : memref<1024x100x128xf32, #tpu.memory_space<hbm>> -> memref<1x100x128xf32, #tpu.memory_space<hbm>>
      %dma_start3A_130 = tpu.memref_squeeze %dma_start3A_129 : memref<1x100x128xf32, #tpu.memory_space<hbm>> -> memref<100x128xf32, #tpu.memory_space<hbm>>
      tpu.enqueue_dma source(%arg11 : memref<100x128xf32, #tpu.memory_space<vmem>>) target(%dma_start3A_130 : memref<100x128xf32, #tpu.memory_space<hbm>>) target_semaphore(%arg15 : memref<!tpu.dma_semaphore, #tpu.memory_space<semaphore_mem>>)
    }
    %scan3A_23 = arith.constant 16 : i32
    %dma_wait3A = arith.constant 0 : i32
    %dma_wait3A_24 = arith.constant 0 : i32
    %dma_wait3A_25 = tpu.memref_slice %arg5[%mul3A_2, %dma_wait3A, %dma_wait3A_24] : memref<1024x100x128xf32, #tpu.memory_space<hbm>> -> memref<1x100x128xf32, #tpu.memory_space<hbm>>
    %dma_wait3A_26 = tpu.memref_squeeze %dma_wait3A_25 : memref<1x100x128xf32, #tpu.memory_space<hbm>> -> memref<100x128xf32, #tpu.memory_space<hbm>>
    %dma_wait3A_27 = arith.constant 0 : i32
    %dma_wait3A_28 = arith.constant 0 : i32
    %dma_wait3A_29 = tpu.memref_slice %arg5[%mul3A_2, %dma_wait3A_27, %dma_wait3A_28] : memref<1024x100x128xf32, #tpu.memory_space<hbm>> -> memref<1x100x128xf32, #tpu.memory_space<hbm>>
    %dma_wait3A_30 = tpu.memref_squeeze %dma_wait3A_29 : memref<1x100x128xf32, #tpu.memory_space<hbm>> -> memref<100x128xf32, #tpu.memory_space<hbm>>
    tpu.wait_dma2 semaphore(%arg14 : memref<!tpu.dma_semaphore, #tpu.memory_space<semaphore_mem>>) src(%arg10 : memref<100x128xf32, #tpu.memory_space<vmem>>) dst(%dma_wait3A_30 : memref<100x128xf32, #tpu.memory_space<hbm>>)
    %dma_wait3A_31 = arith.constant 0 : i32
    %dma_wait3A_32 = arith.constant 0 : i32
    %dma_wait3A_33 = tpu.memref_slice %arg5[%mul3A_2, %dma_wait3A_31, %dma_wait3A_32] : memref<1024x100x128xf32, #tpu.memory_space<hbm>> -> memref<1x100x128xf32, #tpu.memory_space<hbm>>
    %dma_wait3A_34 = tpu.memref_squeeze %dma_wait3A_33 : memref<1x100x128xf32, #tpu.memory_space<hbm>> -> memref<100x128xf32, #tpu.memory_space<hbm>>
    %dma_wait3A_35 = arith.constant 0 : i32
    %dma_wait3A_36 = arith.constant 0 : i32
    %dma_wait3A_37 = tpu.memref_slice %arg5[%mul3A_2, %dma_wait3A_35, %dma_wait3A_36] : memref<1024x100x128xf32, #tpu.memory_space<hbm>> -> memref<1x100x128xf32, #tpu.memory_space<hbm>>
    %dma_wait3A_38 = tpu.memref_squeeze %dma_wait3A_37 : memref<1x100x128xf32, #tpu.memory_space<hbm>> -> memref<100x128xf32, #tpu.memory_space<hbm>>
    tpu.wait_dma2 semaphore(%arg15 : memref<!tpu.dma_semaphore, #tpu.memory_space<semaphore_mem>>) src(%arg11 : memref<100x128xf32, #tpu.memory_space<vmem>>) dst(%dma_wait3A_38 : memref<100x128xf32, #tpu.memory_space<hbm>>)
    return
  }
}

</mosaic_0001>

<sc_bundles>
// kernel: kernel.3.cloned.1.call-start
scs
__scs_entry_jumppad:
0x0: {  	(pc) =	sbr.rel $0x88, $3  }
0x1: {  	(tag) =	ssettag $0x0;
	lr =	simm.s32 $0x1  }
0x2: {  	[smem:$0x3F9E] =	sst lr;
	_ =	strace $0xD0000000  }
0x3: {  	_ = 	snop  }
0x4: {  	_ = 	snop  }
0x5: {  	_ = 	snop  }
0x6: {  	_ = 	snop  }
0x7: {  	_ = 	snop  }
__scs_overlays_trampoline_lowered:
0x8: {  	[smem:$0x3FAD] =	sst s0  }
0x9: {  	[smem:$0x3FAE] =	sst s1  }
0xa: {  	[smem:$0x3FAF] =	sst s2  }
0xb: {  	[smem:$0x3FB0] =	sst s3  }
0xc: {  	[smem:$0x3FB1] =	sst s4  }
0xd: {  	[smem:$0x3FB2] =	sst s5  }
0xe: {  	[smem:$0x3FB3] =	sst s6  }
0xf: {  	[smem:$0x3FB4] =	sst s7  }
0x10: {  	[smem:$0x3FB5] =	sst s8  }
0x11: {  	[smem:$0x3FB6] =	sst s9;
	s0 =	simm.s32 @!p0 $0x0  }
0x12: {  	s1 =	sld [smem:$0x3F9C];
	s0 =	simm.s32 @p0 $0x1  }
0x13: {  	[smem:$0x3FB7] =	sst s0;
	s0 =	simm.s32 @!p1 $0x0  }
0x14: {  	s2 =	sld [smem:$0x3F9B];
	s0 =	simm.s32 @p1 $0x1  }
0x15: {  	[smem:$0x3FB8] =	sst s0;
	s0 =	simm.s32 @!p2 $0x0  }
0x16: {  	s3 =	sld [smem:$0x3FDB];
	s0 =	simm.s32 @p2 $0x1  }
0x17: {  	s4 =	simm.s32 $0x1BF5;
	[smem:$0x3FBA] =	sst s0  }
0x18: {  	s0 =	sld [smem:$0x3F9D];
	_ =	swait.ge [sflag:s4], $0x0  }
0x19: {  	s7 =	sld [smem:$0x3F9E]  }
0x1a: {  	s8 =	sadd.s32 $0xFFFFE003, lr  }
0x1b: {  	s9 =	sadd.s32 $0xFFFFFEF7, lr;
	s5 =	simm.s32 $0xFFFFFFFF;
	p2 =	slt.u32 s8, $0xFFFFF086  }
0x1c: {  	p1 =	slt.u32 s9, $0xF7A;
	s5 =	simm.s32 @!p2 $0x0  }
0x1d: {  	s5 =	simm.s32 @p1 $0x1;
	p0 =	seq.s32 s7, s2  }
0x1e: {  	s7 =	smul.u32 @!p0 $0xF7A, s2;
	p2 =	seq.s32 @!p0 s5, $0x0  }
0x1f: {  	s9 =	smul.u32 $0xF7A, s1;
	s8 =	simm.s32 @!p0 $0x1BF5;
	p2 =	por !p2, p0  }
0x20: {  	[sflag:s8] =	ssyncset.s32 @!p0 $0xFFFFF086;
	s6 =	sadd.s32 @!p0 s3, s7;
	s7 =	simm.s32 @!p0 $0x108  }
0x21: {  	s3 =	sadd.s32 s3, s9;
	s6 =	sadd.s32 @!p0 $0x88, s6;
	s7 =	simm.s32 @p2 $0x1082  }
0x22: {  	[simem:s7], [sflag:s8] =	dma.local @!p0 [hbm:s6], $0xF7A  }
0x23: {  	s9 =	sor.u32 $0xD0000000, s2;
	s6 =	simm.s32 $0x108;
	_ =	swait.ge @!p0 [sflag:s8], $0x0  }
0x24: {  	s3 =	sadd.s32 $0x88, s3;
	s6 =	simm.s32 @!p1 $0x1082;
	[sflag:s4] =	ssyncset.s32 $0xFFFFF086  }
0x25: {  	[simem:s6], [sflag:s4] =	dma.local [hbm:s3], $0xF7A  }
0x26: {  	[smem:$0x3F9E] =	sst s1;
	(tag) =	ssettag s2;
	_ =	strace s9  }
0x27: {  	s1 =	sld [smem:$0x3FAE]  }
0x28: {  	s2 =	sld [smem:$0x3FAF]  }
0x29: {  	s4 =	sld [smem:$0x3FB1]  }
0x2a: {  	p0 =	seq.s32 s5, $0x0;
	s5 =	sld [smem:$0x3FB2]  }
0x2b: {  	s6 =	sld [smem:$0x3FB3]  }
0x2c: {  	s7 =	sld [smem:$0x3FB4]  }
0x2d: {  	s3 =	simm.s32 $0x108;
	s8 =	sld [smem:$0x3FB5]  }
0x2e: {  	s3 =	simm.s32 @!p0 $0x1082;
	s9 =	sld [smem:$0x3FB6]  }
0x2f: {  	lr =	sadd.s32 s0, s3;
	s0 =	sld [smem:$0x3FAD]  }
0x30: {  	s3 =	sld [smem:$0x3FB0]  }
0x31: {  	[smem:$0x3FB9] =	sst s10  }
0x32: {  	s10 =	sld [smem:$0x3FB7];
	_ =	sdelay $0x3  }
0x33: {  	p0 =	seq.s32 s10, $0x1;
	s10 =	sld [smem:$0x3FB9];
	_ =	sdelay $0x3  }
0x34: {  	[smem:$0x3FB9] =	sst s10  }
0x35: {  	s10 =	sld [smem:$0x3FB8];
	_ =	sdelay $0x3  }
0x36: {  	p1 =	seq.s32 s10, $0x1;
	s10 =	sld [smem:$0x3FB9];
	_ =	sdelay $0x3  }
0x37: {  	[smem:$0x3FB9] =	sst s10  }
0x38: {  	s10 =	sld [smem:$0x3FBA]  }
0x39: {  	_ = 	snop;
	(pc) =	sbr.ind lr, $3  }
0x3a: {  	_ = 	snop  }
0x3b: {  	_ = 	snop  }
0x3c: {  	p2 =	seq.s32 s10, $0x1;
	s10 =	sld [smem:$0x3FB9]  }
0x3d: {  	_ =	shalt  }
0x3e: {  	_ =	shalt  }
0x3f: {  	_ =	shalt  }
0x40: {  	_ =	shalt  }
0x41: {  	_ =	shalt  }
0x42: {  	_ =	shalt  }
0x43: {  	_ =	shalt  }
0x44: {  	_ =	shalt  }
0x45: {  	_ =	shalt  }
0x46: {  	_ =	shalt  }
0x47: {  	_ =	shalt  }
0x48: {  	_ =	shalt  }
0x49: {  	_ =	shalt  }
0x4a: {  	_ =	shalt  }
0x4b: {  	_ =	shalt  }
0x4c: {  	_ =	shalt  }
0x4d: {  	_ =	shalt  }
0x4e: {  	_ =	shalt  }
0x4f: {  	_ =	shalt  }
0x50: {  	_ =	shalt  }
0x51: {  	_ =	shalt  }
0x52: {  	_ =	shalt  }
0x53: {  	_ =	shalt  }
0x54: {  	_ =	shalt  }
0x55: {  	_ =	shalt  }
0x56: {  	_ =	shalt  }
0x57: {  	_ =	shalt  }
0x58: {  	_ =	shalt  }
0x59: {  	_ =	shalt  }
0x5a: {  	_ =	shalt  }
0x5b: {  	_ =	shalt  }
0x5c: {  	_ =	shalt  }
0x5d: {  	_ =	shalt  }
0x5e: {  	_ =	shalt  }
0x5f: {  	_ =	shalt  }
0x60: {  	_ =	shalt  }
0x61: {  	_ =	shalt  }
0x62: {  	_ =	shalt  }
0x63: {  	_ =	shalt  }
0x64: {  	_ =	shalt  }
0x65: {  	_ =	shalt  }
0x66: {  	_ =	shalt  }
0x67: {  	_ =	shalt  }
0x68: {  	_ =	shalt  }
0x69: {  	_ =	shalt  }
0x6a: {  	_ =	shalt  }
0x6b: {  	_ =	shalt  }
0x6c: {  	_ =	shalt  }
0x6d: {  	_ =	shalt  }
0x6e: {  	_ =	shalt  }
0x6f: {  	_ =	shalt  }
0x70: {  	_ =	shalt  }
0x71: {  	_ =	shalt  }
0x72: {  	_ =	shalt  }
0x73: {  	_ =	shalt  }
0x74: {  	_ =	shalt  }
0x75: {  	_ =	shalt  }
0x76: {  	_ =	shalt  }
0x77: {  	_ =	shalt  }
0x78: {  	_ =	shalt  }
0x79: {  	_ =	shalt  }
0x7a: {  	_ =	shalt  }
0x7b: {  	_ =	shalt  }
0x7c: {  	_ =	shalt  }
0x7d: {  	_ =	shalt  }
0x7e: {  	_ =	shalt  }
0x7f: {  	_ =	shalt  }
0x80: {  	_ =	shalt  }
0x81: {  	_ =	shalt  }
0x82: {  	_ =	shalt  }
0x83: {  	_ =	shalt  }
0x84: {  	_ =	shalt  }
0x85: {  	_ =	shalt  }
0x86: {  	_ =	shalt  }
0x87: {  	_ =	shalt  }
.Lfunc_end0:
.L_simem_size_0:
called_computation_lowered:
.L_overlay_start_0:
0x88: {  	s2 =	sld [smem:$0x3FD9]  }
0x89: {  	s3 =	sld [smem:$0x3FFE];
	_ =	sdelay $0x1  }
0x8a: {  	s1 =	srdreg.scid  }
0x8b: {  	s0 =	sand.u32 $0x1, s1  }
0x8c: {  	s17 =	sshll.u32 s0, $0xA;
	s2 =	sadd.s32 s3, s2  }
0x8d: {  	s2 =	sadd.s32 s2, s17  }
0x8e: {  	[smem:$0x3FC5] =	sst s2  }
0x8f: {  	_ = 	snop  }
0x90: {  	s2 =	sld [smem:$0x3FD0];
	(tm) =	ssettm $0x1  }
0x91: {  	s18 =	sld [smem:$0x3FFB];
	_ =	sdelay $0x3  }
0x92: {  	_ =	strace s18  }
0x93: {  	s3 =	sld [smem:$0x3FFC];
	_ =	sdelay $0x3  }
0x94: {  	_ =	strace s3  }
0x95: {  	s3 =	sld [smem:$0x3FFD];
	_ =	sdelay $0x3  }
0x96: {  	_ =	strace s3  }
0x97: {  	_ =	strace $0x8FFFFFFF  }
0x98: {  	s19 =	sld [smem:$0x3FDB];
	_ =	sdelay $0x1  }
0x99: {  	s4 =	simm.s32 $_scs_section_size  }
0x9a: {  	s5 =	simm.s32 $_size__tile_overlayer_lowered;
	s6 =	simm.s32 $_tile_overlayer_lowered  }
0x9b: {  	s22 =	simm.s32 $0x1BFF;
	s21 =	sshll.u32 s6, $0x1;
	s3 =	sadd.s32 s4, s19  }
0x9c: {  	s7 =	simm.s32 $0x0;
	s20 =	sshll.u32 s5, $0x1;
	s5 =	sadd.s32 s21, s3  }
0x9d: {  	[timem:s7], [sflag:s22] =	dma.local [hbm:s5], s20  }
0x9e: {  	_ =	swait.ge [sflag:s22], s20  }
0x9f: {  	s4 =	ssub.s32 $0x0, s20;
	[sflag:s22] =	ssyncset.done $0x0  }
0xa0: {  	[sflag:s22] =	ssyncadd.s32 s4;
	_ =	sdelay $0x1  }
0xa1: {  	s23 =	simm.s32 $0x1B8B  }
0xa2: {  	_ =	swait.ge [sflag:s23], $0x1  }
0xa3: {  	[sflag:s23] =	ssyncset.done $0x0  }
0xa4: {  	s25 =	simm.s32 $0x1B8E;
	s24 =	sld [smem:$0x3FFE];
	[sflag:s23] =	ssyncadd.s32 $0xFFFFFFFF  }
0xa5: {  	s26 =	simm.s32 $execute0_lowered;
	[smem:$0x3FD2] =	sst s25  }
0xa6: {  	s5 =	sshll.u32 s26, $0x1;
	_ =	strace $0x80000046;
	[dreg:$0x1] =	wrdreg $0xFFFFFFFF  }
0xa7: {  	s28 =	simm.s32 $_size_execute0_lowered;
	s3 =	sadd.s32 s3, s5;
	[dreg:$0x0] =	wrdreg $0x0  }
0xa8: {  	s5 =	sshll.u32 s28, $0x1;
	[dreg:$0x2] =	wrdreg s3  }
0xa9: {  	[dreg:$0x3] =	wrdreg s5  }
0xaa: {  	[dreg:$0x4] =	wrdreg $0xC0  }
0xab: {  	_ =	task [dreg:s7], $0x5FFFF  }
0xac: {  	[dreg:$0x1] =	wrdreg $0xFFFFFFFF  }
0xad: {  	[dreg:$0x0] =	wrdreg $0x60  }
0xae: {  	[dreg:$0x2] =	wrdreg s2  }
0xaf: {  	[dreg:$0x3] =	wrdreg s24  }
0xb0: {  	[dreg:$0x4] =	wrdreg $0x9  }
0xb1: {  	_ =	task.clear_ibuf [dreg:s7], $0x5FFFF;
	_ =	strace $0x90000046  }
0xb2: {  	s29 =	simm.s32 $0x9;
	_ =	strace $0x80000048  }
0xb3: {  	_ =	swait.ge [sflag:s29], $0x1  }
0xb4: {  	[sflag:s29] =	ssyncadd.s32 $0xFFFFFFFF  }
0xb5: {  	_ =	strace $0x90000048  }
0xb6: {  	_ =	sfence  }
0xb7: {  	s30 =	sld [smem:$0x0];
	_ =	sdelay $0x2  }
0xb8: {  	s31 =	sshll.u32 s1, $0xD;
	s1 =	sshrl.u32 s1, $0x2  }
0xb9: {  	s3 =	sand.u32 $0x4000, s31;
	s1 =	sadd.s32 s1, s30  }
0xba: {  	s0 =	sor.u32 s3, s0;
	s1 =	sshll.u32 s1, $0x11  }
0xbb: {  	s0 =	sor.u32 s1, s0  }
0xbc: {  	s0 =	sadd.s32 $0x8F2B, s0  }
0xbd: {  	[sflag:s0] =	ssyncadd.remote.s32 $0x1  }
0xbe: {  	_ =	sfence.sel $0xFFFF  }
0xbf: {  	[dreg:$0x0] =	wrdreg $0xFFFFFFFF;
	(pc) =	sbr.abs _section_cstart, $3  }
0xc0: {  	[dreg:$0x1] =	wrdreg $0xFFFFFFFF  }
0xc1: {  	_ =	task.clear_ibuf [dreg:s7], $0x2FFFF;
	_ =	strace $0x9FFFFFFF  }
0xc2: {  	(tm) =	ssettm $0x7FFFFFFF  }
0xc3: {  	_ =	shalt  }
tec
execute0_lowered:
.L_overlay_start_1:
0x0: {  	(tag) =	ssettag $0x1  }
0x1: {  	s0 =	rddreg [dreg:$0x0]  }
0x2: {  	s1 =	rddreg [dreg:$0x1]  }
0x3: {  	s3 =	srdreg.scid;
	s5 =	stileid.u32;
	s2 =	simm.s32 $0x0  }
0x4: {  	s12 =	simm.s32 $0x5;
	s13 =	simm.s32 $0x60;
	s15 =	simm.s32 $0x68  }
0x5: {  	s18 =	simm.s32 $0x1;
	s19 =	simm.s32 $0xE100;
	s20 =	simm.s32 $0x11100  }
0x6: {  	s21 =	simm.s32 $0x14500;
	s22 =	simm.s32 $0x2;
	s23 =	simm.s32 $0x17900  }
0x7: {  	s24 =	simm.s32 $0x3;
	s25 =	simm.s32 $0x4;
	s4 =	sand.u32 $0x1, s3  }
0x8: {  	s26 =	sshll.u32 s5, $0x1;
	[smem:$0x7FF] =	sst s2;
	s28 =	sshrl.u32 s5, $0x2  }
0x9: {  	s3 =	sadd.s32 $0xF43A00, s1;
	s8 =	sadd.s32 $0xF42C00, s1;
	s6 =	sor.u32 s4, s26  }
0xa: {  	_ =	strace $0x80000047;
	s5 =	smul.u32 $0xC800, s28;
	s7 =	sshll.u32 s6, $0x7  }
0xb: {  	s4 =	ssub.s32 $0x2, s4;
	[dreg:$0x3] =	wrdreg s8;
	s7 =	sand.u32 $0x380, s7  }
0xc: {  	s26 =	simm.s32 $0x0;
	s29 =	sshrl.u32 s4, $0x1;
	s7 =	sor.u32 s5, s7  }
0xd: {  	s6 =	sshll.u32 s6, $0x5;
	s30 =	ssub.s32 s4, s29;
	s31 =	sshrl.u32 s7, $0x3  }
0xe: {  	s5 =	sadd.s32 $0x800, s1;
	s8 =	smax.u32 s30, $0x1;
	s7 =	sadd.s32 s0, s31  }
.LBB2_1:
0xf: {  	s0 =	simm.s32 $0x80;
	s1 =	simm.s32 $0x400;
	s4 =	simm.s32 $0x6400  }
0x10: {  	[tilespmem:s4], [sflag:$0x5] =	stream.strided.gather [hbm4b:s7+s0], $0x1900, s1, s0, $0x38;
	[tilespmem:$0x1AD00] =	vst v63  }
0x11: {  	_ =	swait.ge [sflag:s12], $0x1900  }
0x12: {  	[sflag:s12] =	ssyncset.done $0x0  }
0x13: {  	s17 =	rddreg [dreg:$0x3];
	[sflag:s12] =	ssyncadd.s32 $0xFFFFE700  }
0x14: {  	[tilespmem:s2], [sflag:$0x5] =	stream.linear.gather [hbm4b:s17+s2], $0x6400, $0x38;
	[tilespmem:$0x1AD00] =	vst v63  }
0x15: {  	_ =	swait.ge [sflag:s12], $0x6400  }
0x16: {  	[sflag:s12] =	ssyncset.done $0x0  }
0x17: {  	s29 =	simm.s32 $0x7D00;
	[sflag:s12] =	ssyncadd.s32 $0xFFFF9C00  }
0x18: {  	[tilespmem:s29], [sflag:$0x1] =	stream.indirect.gather [hbm4b:s3+s13], $0x80, s4, s13, $0xb8;
	[tilespmem:$0x1AD00] =	vst v63  }
0x19: {  	s30 =	simm.s32 $0x6460;
	s31 =	simm.s32 $0xAD00;
	s28 =	simm.s32 $0x0  }
0x1a: {  	[tilespmem:s31], [sflag:$0x1] =	stream.indirect.gather [hbm4b:s3+s15], $0x80, s30, s15, $0xb8;
	[tilespmem:$0x1AD00] =	vst v63  }
.LBB2_2:
0x1b: {  	_ =	swait.ge [sflag:s18], $0x3000  }
0x1c: {  	s29 =	sshllo.u32 s28, $0x1;
	[sflag:s18] =	ssyncset.done $0x0  }
0x1d: {  	s0 =	smul.u32 $0x320, s29;
	[sflag:s18] =	ssyncadd.s32 $0xFFFFD000  }
0x1e: {  	_ =	swait.ge [sflag:s18], $0x3400  }
0x1f: {  	s0 =	sshra.s32 s0, $0x2;
	[sflag:s18] =	ssyncset.done $0x0  }
0x20: {  	s1 =	sadd.s32 $0x6400, s0;
	[sflag:s18] =	ssyncadd.s32 $0xFFFFCC00  }
0x21: {  	[tilespmem:s19], [sflag:$0x2] =	stream.indirect.gather [hbm4b:s3+s13], $0x80, s1, s13, $0xb8;
	[tilespmem:$0x1AD00] =	vst v63  }
0x22: {  	p0 =	seq.s32 s28, $0x0;
	s0 =	sadd.s32 $0x6460, s0  }
0x23: {  	[tilespmem:s20], [sflag:$0x2] =	stream.indirect.gather [hbm4b:s3+s15], $0x80, s0, s15, $0xb8;
	[tilespmem:$0x1AD00] =	vst v63  }
0x24: {  	s0 =	simm.s32 @!p0 $0x3  }
0x25: {  	_ =	swait.ge @!p0 [sflag:s0], $0x3200  }
0x26: {  	[sflag:s0] =	ssyncset.done @!p0 $0x0  }
0x27: {  	s10 =	simm.s32 $0x7D80;
	[sflag:s0] =	ssyncadd.s32 @!p0 $0xFFFFCE00  }
0x28: {  	s31 =	simm.s32 $0x80;
	v0 =	vld [tilespmem:s10+$0x0]  }
0x29: {  	v1 =	vld [tilespmem:s31+$0x0];
	_ =	sdelay $0x2  }
0x2a: {  	v2 =	vld [tilespmem:s31+$0xFFFFFF80]  }
0x2b: {  	v3 =	vld [tilespmem:s10+$0xFFFFFF80]  }
0x2c: {  	v0 =	vadd.f32 v1, v0  }
0x2d: {  	s30 =	simm.s32 $0x14540  }
0x2e: {  	[tilespmem:s30+$0x0] =	vst v0  }
0x2f: {  	v0 =	vld [tilespmem:s10+$0x10]  }
0x30: {  	v1 =	vadd.f32 v2, v3;
	v2 =	vld [tilespmem:s31+$0x10];
	_ =	sdelay $0x1  }
0x31: {  	[tilespmem:s30+$0xFFFFFFC0] =	vst v1  }
0x32: {  	v1 =	vld [tilespmem:s10+$0xFFFFFF90]  }
0x33: {  	v3 =	vld [tilespmem:s31+$0xFFFFFF90]  }
0x34: {  	s1 =	simm.s32 $0x180;
	v0 =	vadd.f32 v2, v0  }
0x35: {  	s0 =	simm.s32 $0x7E80;
	v4 =	vld [tilespmem:s1+$0x0]  }
0x36: {  	v2 =	vld [tilespmem:s0+$0x0];
	[tilespmem:s30+$0x10] =	vst v0  }
0x37: {  	v0 =	vld [tilespmem:s10+$0x20]  }
0x38: {  	v1 =	vadd.f32 v3, v1;
	v3 =	vld [tilespmem:s31+$0x20]  }
0x39: {  	v5 =	vld [tilespmem:s1+$0xFFFFFF80]  }
0x3a: {  	v6 =	vld [tilespmem:s0+$0xFFFFFF80];
	[tilespmem:s30+$0xFFFFFFD0] =	vst v1  }
0x3b: {  	v1 =	vadd.f32 v4, v2;
	v2 =	vld [tilespmem:s10+$0xFFFFFFA0]  }
0x3c: {  	s14 =	simm.s32 $0x145C0;
	v4 =	vld [tilespmem:s31+$0xFFFFFFA0]  }
0x3d: {  	[tilespmem:s14+$0x0] =	vst v1;
	v0 =	vadd.f32 v3, v0  }
0x3e: {  	v7 =	vld [tilespmem:s0+$0x10]  }
0x3f: {  	v3 =	vadd.f32 v5, v6;
	v5 =	vld [tilespmem:s1+$0x10];
	[tilespmem:s30+$0x20] =	vst v0  }
0x40: {  	v1 =	vld [tilespmem:s10+$0x30]  }
0x41: {  	[tilespmem:s14+$0xFFFFFFC0] =	vst v3;
	v0 =	vadd.f32 v4, v2;
	v2 =	vld [tilespmem:s31+$0x30]  }
0x42: {  	v3 =	vld [tilespmem:s0+$0xFFFFFF90]  }
0x43: {  	s9 =	sshll.u32 s28, $0x1;
	s17 =	simm.s32 $0x2;
	v4 =	vld [tilespmem:s1+$0xFFFFFF90];
	[tilespmem:s30+$0xFFFFFFE0] =	vst v0  }
0x44: {  	s4 =	simm.s32 $0x7F80;
	s16 =	simm.s32 $0x180;
	v5 =	vadd.f32 v5, v7;
	v0 =	vld [tilespmem:s10+$0xFFFFFFB0];
	s10 =	simm.s32 $0x145C0  }
.LBB2_3:
0x45: {  	v6 =	vld [tilespmem:s4+$0x0];
	s1 =	sadd.s32 $0x100, s1;
	s11 =	smov.u32 s0;
	s0 =	smov.u32 s4  }
0x46: {  	v7 =	vld [tilespmem:s1+$0x0];
	[tilespmem:s14+$0x10] =	vst v5;
	v1 =	vadd.f32 v2, v1  }
0x47: {  	v2 =	vld [tilespmem:s11+$0x20]  }
0x48: {  	v3 =	vadd.f32 v4, v3;
	v4 =	vld [tilespmem:s16+$0x20];
	[tilespmem:s30+$0x30] =	vst v1  }
0x49: {  	s17 =	sadd.s32 $0x2, s17;
	v1 =	vld [tilespmem:s1+$0xFFFFFF80]  }
0x4a: {  	p0 =	slt.u32 s17, $0xC6;
	v5 =	vld [tilespmem:s4+$0xFFFFFF80];
	[tilespmem:s14+$0xFFFFFFD0] =	vst v3  }
0x4b: {  	v3 =	vadd.f32 v7, v6;
	v6 =	vld [tilespmem:s11+$0xFFFFFFA0]  }
0x4c: {  	s14 =	sadd.s32 $0x80, s14;
	v7 =	vld [tilespmem:s16+$0xFFFFFFA0]  }
0x4d: {  	[tilespmem:s14+$0x0] =	vst v3;
	v2 =	vadd.f32 v4, v2;
	v4 =	vld [tilespmem:s31+$0xFFFFFFB0];
	s31 =	smov.u32 s16;
	s16 =	smov.u32 s1  }
0x4e: {  	v8 =	vld [tilespmem:s4+$0x10]  }
0x4f: {  	v3 =	vadd.f32 v1, v5;
	v5 =	vld [tilespmem:s1+$0x10];
	[tilespmem:s10+$0x20] =	vst v2  }
.Ltmp0:
0x50: {  	v1 =	vld [tilespmem:s11+$0x30];
	(pc) =	sbr.rel @p0 .LBB2_3-.Ltmp0, $4  }
0x51: {  	[tilespmem:s14+$0xFFFFFFC0] =	vst v3;
	v6 =	vadd.f32 v7, v6;
	v2 =	vld [tilespmem:s31+$0x30]  }
0x52: {  	v3 =	vld [tilespmem:s4+$0xFFFFFF90];
	v7 =	vadd.f32 v4, v0  }
0x53: {  	v4 =	vld [tilespmem:s1+$0xFFFFFF90];
	[tilespmem:s10+$0xFFFFFFE0] =	vst v6  }
0x54: {  	s4 =	sadd.s32 $0x100, s4;
	v5 =	vadd.f32 v5, v8;
	v0 =	vld [tilespmem:s11+$0xFFFFFFB0];
	[tilespmem:s30+$0xFFFFFFF0] =	vst v7;
	s30 =	smov.u32 s10;
	s10 =	smov.u32 s14  }
0x55: {  	_ =	sdelay $0x2  }
0x56: {  	[tilespmem:s14+$0x10] =	vst v5;
	v3 =	vadd.f32 v4, v3  }
0x57: {  	v5 =	vld [tilespmem:s16+$0x20]  }
0x58: {  	v4 =	vld [tilespmem:s0+$0x20];
	[tilespmem:s14+$0xFFFFFFD0] =	vst v3  }
0x59: {  	v3 =	vld [tilespmem:s0+$0xFFFFFFA0]  }
0x5a: {  	v6 =	vld [tilespmem:s16+$0xFFFFFFA0];
	_ =	sdelay $0x2  }
0x5b: {  	v4 =	vadd.f32 v5, v4;
	_ =	sdelay $0x1  }
0x5c: {  	v5 =	vld [tilespmem:s31+$0xFFFFFFB0];
	[tilespmem:s10+$0x20] =	vst v4;
	v3 =	vadd.f32 v6, v3  }
0x5d: {  	v4 =	vld [tilespmem:s0+$0x30]  }
0x5e: {  	v6 =	vld [tilespmem:s16+$0x30];
	[tilespmem:s10+$0xFFFFFFE0] =	vst v3  }
0x5f: {  	v3 =	vld [tilespmem:s0+$0xFFFFFFB0]  }
0x60: {  	v7 =	vld [tilespmem:s16+$0xFFFFFFB0];
	_ =	sdelay $0x1  }
0x61: {  	v1 =	vadd.f32 v2, v1  }
0x62: {  	v0 =	vadd.f32 v5, v0  }
0x63: {  	[tilespmem:s30+$0x30] =	vst v1;
	s16 =	sadd.s32 s6, s9;
	v1 =	vadd.f32 v6, v4  }
0x64: {  	[tilespmem:s30+$0xFFFFFFF0] =	vst v0;
	s0 =	smul.u32 $0x680, s16;
	v0 =	vadd.f32 v7, v3  }
0x65: {  	[tilespmem:s10+$0x30] =	vst v1  }
0x66: {  	s0 =	sadd.s32 s5, s0;
	[tilespmem:s10+$0xFFFFFFF0] =	vst v0  }
0x67: {  	[hbm4b:s0+s2] =	stream.linear.scatter [tilespmem:s21], [sflag:$0x3], $0x3200, $0x38;
	[tilespmem:$0x1AD00] =	vst v63  }
0x68: {  	_ =	swait.ge [sflag:s22], $0x3000  }
0x69: {  	p0 =	seq.s32 s28, $0xF;
	[sflag:s22] =	ssyncset.done $0x0  }
0x6a: {  	s0 =	smul.u32 @!p0 $0x640, s28;
	[sflag:s22] =	ssyncadd.s32 $0xFFFFD000  }
0x6b: {  	p1 =	seq.s32 @!p0 s28, $0x0;
	_ =	swait.ge [sflag:s22], $0x3400  }
0x6c: {  	s4 =	simm.s32 @!p0 $0x60;
	s0 =	sshra.s32 @!p0 s0, $0x2;
	[sflag:s22] =	ssyncset.done $0x0  }
0x6d: {  	s9 =	simm.s32 @!p0 $0x7D00;
	s1 =	sadd.s32 @!p0 $0x6590, s0;
	[sflag:s22] =	ssyncadd.s32 $0xFFFFCC00  }
0x6e: {  	[tilespmem:s9], [sflag:$0x1] =	stream.indirect.gather @!p0 [hbm4b:s3+s4], $0x80, s1, s4, $0xb8;
	[tilespmem:$0x1AD00] =	vst v63  }
0x6f: {  	s0 =	sadd.s32 @!p0 $0x65F0, s0;
	s1 =	simm.s32 @!p0 $0x68;
	s4 =	simm.s32 @!p0 $0xAD00  }
0x70: {  	[tilespmem:s4], [sflag:$0x1] =	stream.indirect.gather @!p0 [hbm4b:s3+s1], $0x80, s0, s1, $0xb8;
	[tilespmem:$0x1AD00] =	vst v63  }
0x71: {  	p0 =	por p0, !p1  }
0x72: {  	_ =	swait.ge @p0 [sflag:s25], $0x3200  }
0x73: {  	[sflag:s25] =	ssyncset.done @p0 $0x0  }
0x74: {  	s17 =	simm.s32 $0xE180;
	[sflag:s25] =	ssyncadd.s32 @p0 $0xFFFFCE00  }
0x75: {  	s31 =	simm.s32 $0x80;
	v0 =	vld [tilespmem:s17+$0x0]  }
0x76: {  	v1 =	vld [tilespmem:s31+$0x0];
	_ =	sdelay $0x2  }
0x77: {  	v2 =	vld [tilespmem:s31+$0xFFFFFF80]  }
0x78: {  	v3 =	vld [tilespmem:s17+$0xFFFFFF80]  }
0x79: {  	v0 =	vadd.f32 v1, v0  }
0x7a: {  	s30 =	simm.s32 $0x17940  }
0x7b: {  	[tilespmem:s30+$0x0] =	vst v0  }
0x7c: {  	v0 =	vld [tilespmem:s17+$0x10]  }
0x7d: {  	v1 =	vadd.f32 v2, v3;
	v2 =	vld [tilespmem:s31+$0x10];
	_ =	sdelay $0x1  }
0x7e: {  	[tilespmem:s30+$0xFFFFFFC0] =	vst v1  }
0x7f: {  	v1 =	vld [tilespmem:s17+$0xFFFFFF90]  }
0x80: {  	v3 =	vld [tilespmem:s31+$0xFFFFFF90]  }
0x81: {  	s1 =	simm.s32 $0x180;
	v0 =	vadd.f32 v2, v0  }
0x82: {  	s0 =	simm.s32 $0xE280;
	v4 =	vld [tilespmem:s1+$0x0]  }
0x83: {  	v2 =	vld [tilespmem:s0+$0x0];
	[tilespmem:s30+$0x10] =	vst v0  }
0x84: {  	v0 =	vld [tilespmem:s17+$0x20]  }
0x85: {  	v1 =	vadd.f32 v3, v1;
	v3 =	vld [tilespmem:s31+$0x20]  }
0x86: {  	v5 =	vld [tilespmem:s1+$0xFFFFFF80]  }
0x87: {  	v6 =	vld [tilespmem:s0+$0xFFFFFF80];
	[tilespmem:s30+$0xFFFFFFD0] =	vst v1  }
0x88: {  	v1 =	vadd.f32 v4, v2;
	v2 =	vld [tilespmem:s17+$0xFFFFFFA0]  }
0x89: {  	s10 =	simm.s32 $0x179C0;
	v4 =	vld [tilespmem:s31+$0xFFFFFFA0]  }
0x8a: {  	[tilespmem:s10+$0x0] =	vst v1;
	v0 =	vadd.f32 v3, v0  }
0x8b: {  	v7 =	vld [tilespmem:s0+$0x10]  }
0x8c: {  	v3 =	vadd.f32 v5, v6;
	v5 =	vld [tilespmem:s1+$0x10];
	[tilespmem:s30+$0x20] =	vst v0  }
0x8d: {  	v1 =	vld [tilespmem:s17+$0x30]  }
0x8e: {  	[tilespmem:s10+$0xFFFFFFC0] =	vst v3;
	v0 =	vadd.f32 v4, v2;
	v2 =	vld [tilespmem:s31+$0x30]  }
0x8f: {  	v3 =	vld [tilespmem:s0+$0xFFFFFF90]  }
0x90: {  	s14 =	simm.s32 $0x180;
	v4 =	vld [tilespmem:s1+$0xFFFFFF90];
	[tilespmem:s30+$0xFFFFFFE0] =	vst v0  }
0x91: {  	s16 =	simm.s32 $0x2;
	s9 =	simm.s32 $0x179C0;
	s4 =	simm.s32 $0xE380;
	v5 =	vadd.f32 v5, v7;
	v0 =	vld [tilespmem:s17+$0xFFFFFFB0]  }
.LBB2_5:
0x92: {  	v6 =	vld [tilespmem:s4+$0x0];
	s1 =	sadd.s32 $0x100, s1;
	s11 =	smov.u32 s0;
	s0 =	smov.u32 s4  }
0x93: {  	v7 =	vld [tilespmem:s1+$0x0];
	[tilespmem:s10+$0x10] =	vst v5;
	v1 =	vadd.f32 v2, v1  }
0x94: {  	v2 =	vld [tilespmem:s11+$0x20]  }
0x95: {  	v3 =	vadd.f32 v4, v3;
	v4 =	vld [tilespmem:s14+$0x20];
	[tilespmem:s30+$0x30] =	vst v1  }
0x96: {  	s16 =	sadd.s32 $0x2, s16;
	v1 =	vld [tilespmem:s1+$0xFFFFFF80]  }
0x97: {  	p0 =	slt.u32 s16, $0xC6;
	v5 =	vld [tilespmem:s4+$0xFFFFFF80];
	[tilespmem:s10+$0xFFFFFFD0] =	vst v3  }
0x98: {  	v3 =	vadd.f32 v7, v6;
	v6 =	vld [tilespmem:s11+$0xFFFFFFA0]  }
0x99: {  	s10 =	sadd.s32 $0x80, s10;
	v7 =	vld [tilespmem:s14+$0xFFFFFFA0]  }
0x9a: {  	[tilespmem:s10+$0x0] =	vst v3;
	v2 =	vadd.f32 v4, v2;
	v4 =	vld [tilespmem:s31+$0xFFFFFFB0];
	s31 =	smov.u32 s14;
	s14 =	smov.u32 s1  }
0x9b: {  	v8 =	vld [tilespmem:s4+$0x10]  }
0x9c: {  	v3 =	vadd.f32 v1, v5;
	v5 =	vld [tilespmem:s1+$0x10];
	[tilespmem:s9+$0x20] =	vst v2  }
.Ltmp1:
0x9d: {  	v1 =	vld [tilespmem:s11+$0x30];
	(pc) =	sbr.rel @p0 .LBB2_5-.Ltmp1, $4  }
0x9e: {  	[tilespmem:s10+$0xFFFFFFC0] =	vst v3;
	v6 =	vadd.f32 v7, v6;
	v2 =	vld [tilespmem:s31+$0x30]  }
0x9f: {  	v3 =	vld [tilespmem:s4+$0xFFFFFF90];
	v7 =	vadd.f32 v4, v0  }
0xa0: {  	v4 =	vld [tilespmem:s1+$0xFFFFFF90];
	[tilespmem:s9+$0xFFFFFFE0] =	vst v6  }
0xa1: {  	s4 =	sadd.s32 $0x100, s4;
	v5 =	vadd.f32 v5, v8;
	v0 =	vld [tilespmem:s11+$0xFFFFFFB0];
	[tilespmem:s30+$0xFFFFFFF0] =	vst v7;
	s30 =	smov.u32 s9;
	s9 =	smov.u32 s10  }
0xa2: {  	_ =	sdelay $0x2  }
0xa3: {  	[tilespmem:s10+$0x10] =	vst v5;
	v3 =	vadd.f32 v4, v3  }
0xa4: {  	v59 =	vld [tilespmem:s0+$0x20]  }
0xa5: {  	v5 =	vld [tilespmem:s14+$0x20];
	[tilespmem:s10+$0xFFFFFFD0] =	vst v3  }
0xa6: {  	v3 =	vld [tilespmem:s0+$0xFFFFFFA0]  }
0xa7: {  	v6 =	vld [tilespmem:s14+$0xFFFFFFA0];
	_ =	sdelay $0x2  }
0xa8: {  	v4 =	vadd.f32 v5, v59;
	_ =	sdelay $0x1  }
0xa9: {  	v60 =	vld [tilespmem:s31+$0xFFFFFFB0];
	[tilespmem:s9+$0x20] =	vst v4;
	v3 =	vadd.f32 v6, v3  }
0xaa: {  	v4 =	vld [tilespmem:s0+$0x30]  }
0xab: {  	v61 =	vld [tilespmem:s14+$0x30];
	[tilespmem:s9+$0xFFFFFFE0] =	vst v3  }
0xac: {  	v3 =	vld [tilespmem:s0+$0xFFFFFFB0]  }
0xad: {  	v7 =	vld [tilespmem:s14+$0xFFFFFFB0];
	_ =	sdelay $0x1  }
0xae: {  	s28 =	sadd.s32 $0x1, s28;
	v1 =	vadd.f32 v2, v1  }
0xaf: {  	p0 =	sne.s32 s28, $0x10;
	v0 =	vadd.f32 v60, v0  }
.Ltmp2:
0xb0: {  	s31 =	sadd.s32 s6, s29;
	[tilespmem:s30+$0x30] =	vst v1;
	v62 =	vadd.f32 v61, v4;
	(pc) =	sbr.rel @p0 .LBB2_2-.Ltmp2, $4  }
0xb1: {  	[tilespmem:s30+$0xFFFFFFF0] =	vst v0;
	s0 =	smul.u32 $0x680, s31;
	v63 =	vadd.f32 v7, v3  }
0xb2: {  	[tilespmem:s9+$0x30] =	vst v62  }
0xb3: {  	s0 =	sadd.s32 s5, s0;
	[tilespmem:s9+$0xFFFFFFF0] =	vst v63  }
0xb4: {  	[hbm4b:s0+s2] =	stream.linear.scatter [tilespmem:s23], [sflag:$0x4], $0x3200, $0x38;
	[tilespmem:$0x1AD00] =	vst v63  }
0xb5: {  	s26 =	sadd.s32 $0x1, s26  }
0xb6: {  	_ =	swait.ge [sflag:s24], $0x3200;
	p0 =	sne.s32 s26, s8  }
.Ltmp3:
0xb7: {  	[sflag:s24] =	ssyncset.done $0x0;
	(pc) =	sbr.rel @p0 .LBB2_1-.Ltmp3, $4  }
0xb8: {  	[sflag:s24] =	ssyncadd.s32 $0xFFFFCE00  }
0xb9: {  	_ =	swait.ge [sflag:s25], $0x3200  }
0xba: {  	[sflag:s25] =	ssyncset.done $0x0  }
0xbb: {  	[sflag:s25] =	ssyncadd.s32 $0xFFFFCE00  }
0xbc: {  	_ =	sfence.sel $0x180000  }
0xbd: {  	[bflag:$0x0] =	sbarrier.arrive $0xFFFF  }
0xbe: {  	_ =	strace $0x90000047  }
0xbf: {  	s0 =	stileid.u32;
	[bflag:$0x2] =	sbarrier.arrive $0xFFFF  }
0xc0: {  	p0 =	sne.s32 s0, $0x0;
	s0 =	rddreg [dreg:$0x2]  }
0xc1: {  	s0 =	sadd.s32 @!p0 $0x100000, s0  }
0xc2: {  	[sflag:s0] =	ssyncadd.tile.s32 @!p0 $0x1;
	_ =	shalt  }
.Lfunc_end2:
_tile_overlayer_lowered:
.L_overlay_start_2:
0xc3: {  	(tag) =	ssettag $0x2  }
0xc4: {  	s0 =	rddreg [dreg:$0x0];
	s2 =	stileid.u32  }
0xc5: {  	s1 =	rddreg [dreg:$0x1];
	p0 =	sne.s32 s2, $0x0  }
0xc6: {  	s3 =	rddreg [dreg:$0x2];
	[bflag:$0x3] =	sbarrier.arrive $0xFFFF;
	s2 =	simm.s32 @!p0 $0x1C05  }
0xc7: {  	[timem:s3], [sflag:s2] =	dma.local @!p0 [hbm:s0], s1  }
0xc8: {  	s0 =	simm.s32 @!p0 $0x5  }
0xc9: {  	_ =	swait.ge @!p0 [sflag:s0], s1  }
0xca: {  	s1 =	ssub.s32 @!p0 $0x0, s1;
	[sflag:s0] =	ssyncset.done @!p0 $0x0  }
0xcb: {  	[sflag:s0] =	ssyncadd.s32 @!p0 s1  }
0xcc: {  	[bflag:$0x3] =	sbarrier.arrive $0xFFFF  }
0xcd: {  	_ =	shalt  }

</sc_bundles>
